<compile_context>
chip_gen: v7x
topology: tpu7x:2x2x1
jax: 0.10.2.dev20260603
libtpu: 0.0.44.dev20260713+nightly
codegen_flags: <defaults>
</compile_context>

<pallas_src>
import functools

import jax
import jax.numpy as jnp
from jax import lax
from jax.experimental import pallas as pl
from jax.experimental.pallas import tpu as pltpu
from jax.experimental.pallas import tpu_sc as plsc

H = 256
D_FEAT = 6
K_DAY = 10
N_NEIGHBOR = 10
T_SEQ = 20
NEG = -1e30


def _dot(a, b):
    return jnp.dot(a, b, preferred_element_type=jnp.float32)


def _gru_body(x_ref, bih0, bhh0, bih1, bhh1,
              wx0r, wx0z, wx0n, wh0r, wh0z, wh0n,
              wx1r, wx1z, wx1n, wh1r, wh1z, wh1n,
              out_ref):
    n = x_ref.shape[1]

    def layer(xt, h, wxr, wxz, wxn, whr, whz, whn, bih, bhh):
        gxr = _dot(xt, wxr[...]) + bih[0:1, 0:H]
        gxz = _dot(xt, wxz[...]) + bih[0:1, H:2 * H]
        gxn = _dot(xt, wxn[...]) + bih[0:1, 2 * H:]
        ghr = _dot(h, whr[...]) + bhh[0:1, 0:H]
        ghz = _dot(h, whz[...]) + bhh[0:1, H:2 * H]
        ghn = _dot(h, whn[...]) + bhh[0:1, 2 * H:]
        r = jax.nn.sigmoid(gxr + ghr)
        z = jax.nn.sigmoid(gxz + ghz)
        nn = jnp.tanh(gxn + r * ghn)
        return (1.0 - z) * nn + z * h

    def step(t, carry):
        h0, h1 = carry
        xt = x_ref[t]
        h0n = layer(xt, h0, wx0r, wx0z, wx0n, wh0r, wh0z, wh0n, bih0, bhh0)
        h1n = layer(h0n, h1, wx1r, wx1z, wx1n, wh1r, wh1z, wh1n, bih1, bhh1)
        return h0n, h1n

    h0 = jnp.zeros((n, H), jnp.float32)
    h1 = jnp.zeros((n, H), jnp.float32)
    h0, h1 = jax.lax.fori_loop(0, T_SEQ, step, (h0, h1))
    out_ref[...] = h1


def _mlp_body(h_ref, l0w, l0b, l1w, l1b, l2w, l2b, p1w, thd, thdT,
              mini_ref, p1_ref, didx_ref):
    def leaky(v):
        return jnp.where(v >= 0, v, 0.01 * v)

    m = leaky(_dot(h_ref[...], l0w[...]) + l0b[0:1, :])
    m = leaky(_dot(m, l1w[...]) + l1b[0:1, :])
    m = leaky(_dot(m, l2w[...]) + l2b[0:1, :])
    mini_ref[...] = m
    p1_ref[...] = _dot(m, p1w[...])

    nb = h_ref.shape[0] // 128
    md = jnp.concatenate(
        [jnp.mean(m[128 * d:128 * (d + 1), :], axis=0, keepdims=True)
         for d in range(nb)]
        + [jnp.zeros((8 - nb, m.shape[1]), jnp.float32)], axis=0)
    t = thd[...]
    tt = thdT[...]
    mdn = jnp.sqrt(jnp.sum(md * md, axis=1, keepdims=True))
    tn = jnp.sqrt(jnp.sum(tt * tt, axis=0, keepdims=True))
    xy = jax.lax.dot_general(md, t, (((1,), (1,)), ((), ())),
                             preferred_element_type=jnp.float32)
    ds = xy / (mdn * tn)
    ds = jnp.where(jnp.isnan(ds), 0.0, ds)

    lane = jax.lax.broadcasted_iota(jnp.int32, ds.shape, 1)
    slot = jax.lax.broadcasted_iota(jnp.int32, (ds.shape[0], 16), 1)
    idxs = jnp.zeros((ds.shape[0], 16), jnp.int32)
    for k in range(K_DAY):
        mx = jnp.max(ds, axis=1, keepdims=True)
        pos = jnp.min(jnp.where(ds == mx, lane, 128), axis=1, keepdims=True)
        idxs = jnp.where(slot == k, pos, idxs)
        ds = jnp.where(lane == pos, NEG, ds)
    didx_ref[...] = idxs


_SC_NBLK = 40
_SC_B = _SC_NBLK * 256
_SC_NW = 32
_SC_BPW = _SC_B // _SC_NW


@functools.partial(
    pl.kernel,
    mesh=plsc.VectorSubcoreMesh(core_axis_name="c", subcore_axis_name="s"),
    out_type=jax.ShapeDtypeStruct((_SC_B, H), jnp.float32),
    scratch_types=[
        pltpu.VMEM((_SC_BPW,), jnp.int32),
        pltpu.VMEM((_SC_BPW, H), jnp.float32),
        pltpu.SemaphoreType.DMA,
    ],
)
def _sc_gather(table_hbm, idx_hbm, out_hbm, idx_v, rows_v, sem):
    wid = lax.axis_index("s") * 2 + lax.axis_index("c")
    base = wid * _SC_BPW
    pltpu.sync_copy(idx_hbm.at[pl.ds(base, _SC_BPW)], idx_v)
    pltpu.async_copy(table_hbm.at[idx_v], rows_v, sem).wait()
    pltpu.sync_copy(rows_v, out_hbm.at[pl.ds(base, _SC_BPW)])


def _sim_body(th_ref, p2w, p2wr, p1_ref, p2s_ref, cv_ref, ci_ref):
    i = pl.program_id(0)
    blk = th_ref[0]
    p2 = _dot(blk, p2w[...])
    p2s_ref[0] = p2
    p2t = jax.lax.dot_general(p2wr[...], blk, (((1,), (1,)), ((), ())),
                              preferred_element_type=jnp.float32)
    p1 = p1_ref[...]
    p1n = jnp.sqrt(jnp.sum(p1 * p1, axis=1, keepdims=True))
    rn = jnp.sqrt(jnp.sum(p2t * p2t, axis=0, keepdims=True))
    xy = jax.lax.dot_general(p1, p2, (((1,), (1,)), ((), ())),
                             preferred_element_type=jnp.float32)
    cs = xy / (p1n * rn)
    cs = jnp.where(jnp.isnan(cs), 0.0, cs)

    lane = jax.lax.broadcasted_iota(jnp.int32, cs.shape, 1)
    slot = jax.lax.broadcasted_iota(jnp.int32, (cs.shape[0], 16), 1)
    cv = jnp.full((cs.shape[0], 16), NEG, jnp.float32)
    ci = jnp.zeros((cs.shape[0], 16), jnp.int32)
    base = i * 256
    for k in range(N_NEIGHBOR):
        mx = jnp.max(cs, axis=1, keepdims=True)
        pos = jnp.min(jnp.where(cs == mx, lane, 256), axis=1, keepdims=True)
        cv = jnp.where(slot == k, mx, cv)
        ci = jnp.where(slot == k, pos + base, ci)
        cs = jnp.where(lane == pos, NEG, cs)
    cv_ref[0] = cv
    ci_ref[0] = ci


def _agg_body(cv_ref, ci_ref, p2s_ref, mini_ref, fcm, fca, fcb,
              o_ref, wv_s, wi_s, agg_s):
    i = pl.program_id(0)
    nblk = pl.num_programs(0)

    @pl.when(i == 0)
    def _():
        cv = cv_ref[...]
        ci = ci_ref[...]
        lane = jax.lax.broadcasted_iota(jnp.int32, cv.shape, 1)
        slot = jax.lax.broadcasted_iota(jnp.int32, (cv.shape[0], 16), 1)
        wv = jnp.zeros((cv.shape[0], 16), jnp.float32)
        wi = jnp.zeros((cv.shape[0], 16), jnp.int32)
        for k in range(N_NEIGHBOR):
            mx = jnp.max(cv, axis=1, keepdims=True)
            pos = jnp.min(jnp.where(cv == mx, lane, cv.shape[1]), axis=1, keepdims=True)
            gidx = jnp.sum(jnp.where(lane == pos, ci, 0), axis=1, keepdims=True)
            wv = jnp.where(slot == k, mx, wv)
            wi = jnp.where(slot == k, gidx, wi)
            cv = jnp.where(lane == pos, NEG, cv)
        wv_s[...] = wv
        wi_s[...] = wi
        agg_s[...] = jnp.zeros_like(agg_s)

    p2 = p2s_ref[0]
    lane256 = jax.lax.broadcasted_iota(jnp.int32, (wv_s.shape[0], 256), 1)
    w_blk = jnp.zeros((wv_s.shape[0], 256), jnp.float32)
    for k in range(N_NEIGHBOR):
        wcol = wi_s[:, k:k + 1] - i * 256
        val = wv_s[:, k:k + 1] / float(N_NEIGHBOR)
        w_blk = w_blk + jnp.where(lane256 == wcol, val, 0.0)
    agg = agg_s[...] + _dot(w_blk, p2)
    agg_s[...] = agg

    @pl.when(i == nblk - 1)
    def _():
        o = (_dot(mini_ref[...], fcm[...]) + _dot(agg, fca[...])
             + fcb[0:1, :])
        o_ref[...] = o


def kernel(input, get_hidden, train_hidden, train_hidden_day,
           W_ih0, W_hh0, b_ih0, b_hh0, W_ih1, W_hh1, b_ih1, b_hh1,
           lin0_W, lin0_b, lin1_W, lin1_b, lin2_W, lin2_b,
           p1_W, p2_W, fc_W, fc_b):
    B, S, _ = input.shape
    N = B * S
    x = input.reshape(N, D_FEAT, -1)
    x = jnp.transpose(x, (2, 0, 1))
    x = jnp.pad(x, ((0, 0), (0, 0), (0, 8 - D_FEAT)))

    def gate_w(W, K, pad_to=None):
        r, z, n = W[:H].T, W[H:2 * H].T, W[2 * H:].T
        if pad_to is not None:
            r = jnp.pad(r, ((0, pad_to - K), (0, 0)))
            z = jnp.pad(z, ((0, pad_to - K), (0, 0)))
            n = jnp.pad(n, ((0, pad_to - K), (0, 0)))
        return r, z, n

    ws = (*gate_w(W_ih0, D_FEAT, pad_to=8), *gate_w(W_hh0, H),
          *gate_w(W_ih1, H), *gate_w(W_hh1, H))
    bs = (b_ih0.reshape(1, -1), b_hh0.reshape(1, -1),
          b_ih1.reshape(1, -1), b_hh1.reshape(1, -1))

    h1 = pl.pallas_call(
        _gru_body,
        out_shape=jax.ShapeDtypeStruct((N, H), jnp.float32),
    )(x, *bs, *ws)

    mini, p1, didx = pl.pallas_call(
        _mlp_body,
        out_shape=(
            jax.ShapeDtypeStruct((N, H), jnp.float32),
            jax.ShapeDtypeStruct((N, H), jnp.float32),
            jax.ShapeDtypeStruct((8, 16), jnp.int32),
        ),
    )(h1, lin0_W.T, lin0_b.reshape(1, -1), lin1_W.T, lin1_b.reshape(1, -1),
      lin2_W.T, lin2_b.reshape(1, -1), p1_W.T, train_hidden_day,
      train_hidden_day.T)

    day_flat = didx[:B, :K_DAY].reshape(-1)
    nblk = B * K_DAY

    table = train_hidden.reshape(128 * 256, H)
    row_idx = (day_flat[:, None] * 256
               + jnp.arange(256, dtype=jnp.int32)[None, :]).reshape(-1)
    sample = _sc_gather(table, row_idx).reshape(nblk, 256, H)

    p2s, cand_v, cand_i = pl.pallas_call(
        _sim_body,
        grid=(nblk,),
        in_specs=[
            pl.BlockSpec((1, 256, H), lambda i: (i, 0, 0)),
            pl.BlockSpec((H, H), lambda i: (0, 0)),
            pl.BlockSpec((H, H), lambda i: (0, 0)),
            pl.BlockSpec((N, H), lambda i: (0, 0)),
        ],
        out_specs=[
            pl.BlockSpec((1, 256, H), lambda i: (i, 0, 0)),
            pl.BlockSpec((1, N, 16), lambda i: (i, 0, 0)),
            pl.BlockSpec((1, N, 16), lambda i: (i, 0, 0)),
        ],
        out_shape=(
            jax.ShapeDtypeStruct((nblk, 256, H), jnp.float32),
            jax.ShapeDtypeStruct((nblk, N, 16), jnp.float32),
            jax.ShapeDtypeStruct((nblk, N, 16), jnp.int32),
        ),
    )(sample, p2_W.T, p2_W, p1)

    cv_flat = jnp.transpose(cand_v, (1, 0, 2)).reshape(N, nblk * 16)
    ci_flat = jnp.transpose(cand_i, (1, 0, 2)).reshape(N, nblk * 16)

    o = pl.pallas_call(
        _agg_body,
        grid=(nblk,),
        in_specs=[
            pl.BlockSpec((N, nblk * 16), lambda i: (0, 0)),
            pl.BlockSpec((N, nblk * 16), lambda i: (0, 0)),
            pl.BlockSpec((1, 256, H), lambda i: (i, 0, 0)),
            pl.BlockSpec((N, H), lambda i: (0, 0)),
            pl.BlockSpec((H, 1), lambda i: (0, 0)),
            pl.BlockSpec((H, 1), lambda i: (0, 0)),
            pl.BlockSpec((1, 1), lambda i: (0, 0)),
        ],
        out_specs=pl.BlockSpec((N, 1), lambda i: (0, 0)),
        out_shape=jax.ShapeDtypeStruct((N, 1), jnp.float32),
        scratch_shapes=[
            pltpu.VMEM((N, 16), jnp.float32),
            pltpu.VMEM((N, 16), jnp.int32),
            pltpu.VMEM((N, H), jnp.float32),
        ],
    )(cv_flat, ci_flat, p2s, mini, fc_W[:, :H].T, fc_W[:, H:].T,
      fc_b.reshape(1, 1))

    return o.reshape(B, S)

# --- scband reference (transcript-rebuilt; emitter-appended) ---
"""Pipeline reference for scband-igmtf-3049426780655 (READ-ONLY COPY).

The authoritative reference and input builder live on the scoring server;
editing this copy changes nothing except your own understanding.
"""

import jax, jax.numpy as jnp
import numpy as np

H = 256
D_FEAT = 6
K_DAY = 10
N_NEIGHBOR = 10

def _leaky(x):
    return jnp.where(x >= 0, x, 0.01 * x)

def _cos_sim(x, y):
    xy = x @ y.T
    xn = jnp.sqrt(jnp.sum(x * x, axis=1)).reshape(-1, 1)
    yn = jnp.sqrt(jnp.sum(y * y, axis=1)).reshape(-1, 1)
    cs = xy / (xn @ yn.T)
    return jnp.where(jnp.isnan(cs), 0.0, cs)

def _gru_layer(x, Wih, Whh, bih, bhh):
    h0 = jnp.zeros((x.shape[0], H), x.dtype)
    xs = jnp.swapaxes(x, 0, 1)
    def step(h, xt):
        gx = xt @ Wih.T + bih
        gh = h @ Whh.T + bhh
        r = jax.nn.sigmoid(gx[:, :H] + gh[:, :H])
        z = jax.nn.sigmoid(gx[:, H:2 * H] + gh[:, H:2 * H])
        n = jnp.tanh(gx[:, 2 * H:] + r * gh[:, 2 * H:])
        hn = (1.0 - z) * n + z * h
        return hn, hn
    hT, hs = jax.lax.scan(step, h0, xs)
    return jnp.swapaxes(hs, 0, 1), hT

def _forward(input, train_hidden, train_hidden_day, W_ih0, W_hh0, b_ih0, b_hh0, W_ih1, W_hh1, b_ih1, b_hh1, lin0_W, lin0_b, lin1_W, lin1_b, lin2_W, lin2_b, p1_W, p2_W, fc_W, fc_b):
    x = input.reshape(input.shape[0] * input.shape[1], -1)
    x = x.reshape(x.shape[0], D_FEAT, -1)
    x = jnp.transpose(x, (0, 2, 1))
    seq1, _ = _gru_layer(x, W_ih0, W_hh0, b_ih0, b_hh0)
    _, out = _gru_layer(seq1, W_ih1, W_hh1, b_ih1, b_hh1)
    mini = _leaky(out @ lin0_W.T + lin0_b)
    mini = _leaky(mini @ lin1_W.T + lin1_b)
    mini = _leaky(mini @ lin2_W.T + lin2_b)
    mini_day = jnp.mean(mini.reshape(input.shape[0], input.shape[1], -1), axis=1)
    day_sim = _cos_sim(mini_day, train_hidden_day)
    _, day_idx = jax.lax.top_k(day_sim, K_DAY)
    sample = train_hidden[day_idx].reshape(-1, train_hidden.shape[-1])
    p1 = mini @ p1_W.T
    p2s = sample @ p2_W.T
    cs = _cos_sim(p1, p2s)
    _, col = jax.lax.top_k(cs, N_NEIGHBOR)
    w = jnp.take_along_axis(cs, col, axis=1) / N_NEIGHBOR
    gathered = p2s[col]
    agg = jnp.einsum('nj,njh->nh', w, gathered)
    out2 = jnp.concatenate([mini, agg], axis=1)
    o = (out2 @ fc_W.T + fc_b).squeeze()
    return o.reshape(input.shape[0], -1)

def setup_inputs(seed: int = 0):
    key = jax.random.key(seed)
    ks = jax.random.split(key, 24)
    s = 0.08
    inp = {}
    inp['input'] = jax.random.normal(ks[0], (4, 128, 120), jnp.float32)
    inp['get_hidden'] = 0
    inp['train_hidden'] = jax.random.normal(ks[1], (128, 256, 256), jnp.float32)
    inp['train_hidden_day'] = jax.random.normal(ks[2], (128, 256), jnp.float32)
    inp['W_ih0'] = jax.random.normal(ks[3], (3 * H, D_FEAT), jnp.float32) * s
    inp['W_hh0'] = jax.random.normal(ks[4], (3 * H, H), jnp.float32) * s
    inp['b_ih0'] = jax.random.normal(ks[5], (3 * H,), jnp.float32) * s
    inp['b_hh0'] = jax.random.normal(ks[6], (3 * H,), jnp.float32) * s
    inp['W_ih1'] = jax.random.normal(ks[7], (3 * H, H), jnp.float32) * s
    inp['W_hh1'] = jax.random.normal(ks[8], (3 * H, H), jnp.float32) * s
    inp['b_ih1'] = jax.random.normal(ks[9], (3 * H,), jnp.float32) * s
    inp['b_hh1'] = jax.random.normal(ks[10], (3 * H,), jnp.float32) * s
    inp['lin0_W'] = jax.random.normal(ks[11], (512, H), jnp.float32) * s
    inp['lin0_b'] = jax.random.normal(ks[12], (512,), jnp.float32) * s
    inp['lin1_W'] = jax.random.normal(ks[13], (512, 512), jnp.float32) * s
    inp['lin1_b'] = jax.random.normal(ks[14], (512,), jnp.float32) * s
    inp['lin2_W'] = jax.random.normal(ks[15], (H, 512), jnp.float32) * s
    inp['lin2_b'] = jax.random.normal(ks[16], (H,), jnp.float32) * s
    inp['p1_W'] = jax.random.normal(ks[17], (H, H), jnp.float32) * s
    inp['p2_W'] = jax.random.normal(ks[18], (H, H), jnp.float32) * s
    inp['fc_W'] = jax.random.normal(ks[19], (1, 2 * H), jnp.float32) * s
    inp['fc_b'] = jax.random.normal(ks[20], (1,), jnp.float32) * s
    return inp

def reference(input, get_hidden, train_hidden, train_hidden_day, W_ih0, W_hh0, b_ih0, b_hh0, W_ih1, W_hh1, b_ih1, b_hh1, lin0_W, lin0_b, lin1_W, lin1_b, lin2_W, lin2_b, p1_W, p2_W, fc_W, fc_b):
    # get_hidden is 0 in this benchmark -> full retrieval path
    return _forward(input, train_hidden, train_hidden_day, W_ih0, W_hh0, b_ih0, b_hh0, W_ih1, W_hh1, b_ih1, b_hh1, lin0_W, lin0_b, lin1_W, lin1_b, lin2_W, lin2_b, p1_W, p2_W, fc_W, fc_b)

if __name__ == "__main__":
    import jax
    _d = setup_inputs()
    print(jax.jit(kernel)(*tuple(_d.values())))

</pallas_src>

<mosaic_0001>
#map = affine_map<(d0, d1) -> (0, 0)>
#map1 = affine_map<(d0, d1) -> (0)>
module attributes {stable_mosaic.version = 14 : i64} {
  func.func @_sc_gather(%arg0: i32, %arg1: i32, %arg2: memref<32768x256xf32, #tpu.memory_space<hbm>>, %arg3: memref<10240xi32, #tpu.memory_space<hbm>>, %arg4: memref<10240x256xf32, #tpu.memory_space<hbm>>, %arg5: memref<320xi32, #tpu.memory_space<vmem>>, %arg6: memref<320x256xf32, #tpu.memory_space<vmem>>, %arg7: memref<!tpu.dma_semaphore, #tpu.memory_space<semaphore_mem>>) attributes {dimension_semantics = [#tpu.dimension_semantics<core_parallel>, #tpu.dimension_semantics<subcore_parallel>], iteration_bounds = array<i64: 2, 16>, scalar_prefetch = 0 : i64, scratch_operands = 3 : i64, tpu.core_type = #tpu.core_type<sc_vector_subcore>, window_params = [{transform_indices = #map}, {transform_indices = #map1}, {transform_indices = #map}]} {
    %mul3A = arith.constant 2 : i32
    %mul3A_0 = arith.muli %arg1, %mul3A : i32
    %add3A = arith.addi %mul3A_0, %arg0 : i32
    %mul3A_1 = arith.constant 320 : i32
    %mul3A_2 = arith.muli %add3A, %mul3A_1 : i32
    "tpu.region"() ({
      %run_scoped3A = tpu.sem_alloc : memref<!tpu.dma_semaphore, #tpu.memory_space<semaphore_mem>>
      %dma_start3A_7 = tpu.memref_slice %arg3[%mul3A_2] : memref<10240xi32, #tpu.memory_space<hbm>> -> memref<320xi32, #tpu.memory_space<hbm>>
      %dma_start3A_8 = tpu.memref_slice %arg3[%mul3A_2] : memref<10240xi32, #tpu.memory_space<hbm>> -> memref<320xi32, #tpu.memory_space<hbm>>
      tpu.enqueue_dma source(%dma_start3A_8 : memref<320xi32, #tpu.memory_space<hbm>>) target(%arg5 : memref<320xi32, #tpu.memory_space<vmem>>) target_semaphore(%run_scoped3A : memref<!tpu.dma_semaphore, #tpu.memory_space<semaphore_mem>>)
      %dma_wait3A_9 = tpu.memref_slice %arg3[%mul3A_2] : memref<10240xi32, #tpu.memory_space<hbm>> -> memref<320xi32, #tpu.memory_space<hbm>>
      %dma_wait3A_10 = tpu.memref_slice %arg3[%mul3A_2] : memref<10240xi32, #tpu.memory_space<hbm>> -> memref<320xi32, #tpu.memory_space<hbm>>
      tpu.wait_dma2 semaphore(%run_scoped3A : memref<!tpu.dma_semaphore, #tpu.memory_space<semaphore_mem>>) src(%dma_wait3A_10 : memref<320xi32, #tpu.memory_space<hbm>>) dst(%arg5 : memref<320xi32, #tpu.memory_space<vmem>>)
      tpu.yield
    }) : () -> ()
    %dma_start3A = arith.constant 0 : i32
    %dma_start3A_3 = arith.constant 0 : i32
    %dma_start3A_4 = tpu.memref_slice %arg2[%dma_start3A, %dma_start3A_3] : memref<32768x256xf32, #tpu.memory_space<hbm>> -> memref<32768x256xf32, #tpu.memory_space<hbm>>
    tpu.enqueue_indirect_dma source(%dma_start3A_4 : memref<32768x256xf32, #tpu.memory_space<hbm>>) target(%arg6 : memref<320x256xf32, #tpu.memory_space<vmem>>) offsets(%arg5 : memref<320xi32, #tpu.memory_space<vmem>>) semaphore(%arg7 : memref<!tpu.dma_semaphore, #tpu.memory_space<semaphore_mem>>)
    %dma_wait3A = arith.constant 0 : i32
    %dma_wait3A_5 = arith.constant 0 : i32
    %dma_wait3A_6 = tpu.memref_slice %arg2[%dma_wait3A, %dma_wait3A_5] : memref<32768x256xf32, #tpu.memory_space<hbm>> -> memref<32768x256xf32, #tpu.memory_space<hbm>>
    tpu.wait_indirect_dma semaphore(%arg7 : memref<!tpu.dma_semaphore, #tpu.memory_space<semaphore_mem>>) src(%dma_wait3A_6 : memref<32768x256xf32, #tpu.memory_space<hbm>>) dst(%arg6 : memref<320x256xf32, #tpu.memory_space<vmem>>)
    "tpu.region"() ({
      %run_scoped3A = tpu.sem_alloc : memref<!tpu.dma_semaphore, #tpu.memory_space<semaphore_mem>>
      %dma_start3A_7 = arith.constant 0 : i32
      %dma_start3A_8 = tpu.memref_slice %arg4[%mul3A_2, %dma_start3A_7] : memref<10240x256xf32, #tpu.memory_space<hbm>> -> memref<320x256xf32, #tpu.memory_space<hbm>>
      %dma_start3A_9 = arith.constant 0 : i32
      %dma_start3A_10 = tpu.memref_slice %arg4[%mul3A_2, %dma_start3A_9] : memref<10240x256xf32, #tpu.memory_space<hbm>> -> memref<320x256xf32, #tpu.memory_space<hbm>>
      tpu.enqueue_dma source(%arg6 : memref<320x256xf32, #tpu.memory_space<vmem>>) target(%dma_start3A_10 : memref<320x256xf32, #tpu.memory_space<hbm>>) target_semaphore(%run_scoped3A : memref<!tpu.dma_semaphore, #tpu.memory_space<semaphore_mem>>)
      %dma_wait3A_11 = arith.constant 0 : i32
      %dma_wait3A_12 = tpu.memref_slice %arg4[%mul3A_2, %dma_wait3A_11] : memref<10240x256xf32, #tpu.memory_space<hbm>> -> memref<320x256xf32, #tpu.memory_space<hbm>>
      %dma_wait3A_13 = arith.constant 0 : i32
      %dma_wait3A_14 = tpu.memref_slice %arg4[%mul3A_2, %dma_wait3A_13] : memref<10240x256xf32, #tpu.memory_space<hbm>> -> memref<320x256xf32, #tpu.memory_space<hbm>>
      tpu.wait_dma2 semaphore(%run_scoped3A : memref<!tpu.dma_semaphore, #tpu.memory_space<semaphore_mem>>) src(%arg6 : memref<320x256xf32, #tpu.memory_space<vmem>>) dst(%dma_wait3A_14 : memref<320x256xf32, #tpu.memory_space<hbm>>)
      tpu.yield
    }) : () -> ()
    return
  }
}

module attributes {stable_mosaic.version = 14 : i64} {
  func.func @_gru_body(%arg0: memref<20x512x8xf32, #tpu.memory_space<vmem>>, %arg1: memref<1x768xf32, #tpu.memory_space<vmem>>, %arg2: memref<1x768xf32, #tpu.memory_space<vmem>>, %arg3: memref<1x768xf32, #tpu.memory_space<vmem>>, %arg4: memref<1x768xf32, #tpu.memory_space<vmem>>, %arg5: memref<8x256xf32, #tpu.memory_space<vmem>>, %arg6: memref<8x256xf32, #tpu.memory_space<vmem>>, %arg7: memref<8x256xf32, #tpu.memory_space<vmem>>, %arg8: memref<256x256xf32, #tpu.memory_space<vmem>>, %arg9: memref<256x256xf32, #tpu.memory_space<vmem>>, %arg10: memref<256x256xf32, #tpu.memory_space<vmem>>, %arg11: memref<256x256xf32, #tpu.memory_space<vmem>>, %arg12: memref<256x256xf32, #tpu.memory_space<vmem>>, %arg13: memref<256x256xf32, #tpu.memory_space<vmem>>, %arg14: memref<256x256xf32, #tpu.memory_space<vmem>>, %arg15: memref<256x256xf32, #tpu.memory_space<vmem>>, %arg16: memref<256x256xf32, #tpu.memory_space<vmem>>, %arg17: memref<512x256xf32, #tpu.memory_space<vmem>>) attributes {dimension_semantics = [], scalar_prefetch = 0 : i64, scratch_operands = 0 : i64, tpu.core_type = #tpu.core_type<tc>} {
    %broadcast_in_dim3A = arith.constant 0.000000e+00 : f32
    %broadcast_in_dim3A_0 = vector.broadcast %broadcast_in_dim3A : f32 to vector<512x256xf32>
    %broadcast_in_dim3A_1 = arith.constant 0.000000e+00 : f32
    %broadcast_in_dim3A_2 = vector.broadcast %broadcast_in_dim3A_1 : f32 to vector<512x256xf32>
    %scan3A = arith.constant 0 : i32
    %scan3A_3 = arith.constant 20 : i32
    %scan3A_4 = arith.addi %scan3A, %scan3A_3 : i32
    %scan3A_5 = arith.constant 1 : i32
    %scan3A_6:2 = scf.for %scan3A_10 = %scan3A to %scan3A_4 step %scan3A_5 iter_args(%scan3A_11 = %broadcast_in_dim3A_0, %scan3A_12 = %broadcast_in_dim3A_2) -> (vector<512x256xf32>, vector<512x256xf32>)  : i32 {
      %get3A = arith.index_cast %scan3A_10 : i32 to index
      %get3A_13 = arith.constant 0 : index
      %get3A_14 = arith.constant 0 : index
      %get3A_15 = vector.load %arg0[%get3A, %get3A_13, %get3A_14] : memref<20x512x8xf32, #tpu.memory_space<vmem>>, vector<1x512x8xf32>
      %get3A_16 = vector.shape_cast %get3A_15 : vector<1x512x8xf32> to vector<512x8xf32>
      %get3A_17 = arith.constant 0 : index
      %get3A_18 = arith.constant 0 : index
      %get3A_19 = vector.load %arg5[%get3A_17, %get3A_18] : memref<8x256xf32, #tpu.memory_space<vmem>>, vector<8x256xf32>
      %dot_general3A = arith.constant dense<0.000000e+00> : vector<512x256xf32>
      %dot_general3A_20 = tpu.matmul %get3A_16, %get3A_19, %dot_general3A {dimension_numbers = #tpu.dot_dimension_numbers<[1], [0], [0], [1], [0, 0, 1, 1], [], []>, transpose_lhs_hint = false} : vector<512x8xf32>, vector<8x256xf32>, vector<512x256xf32> -> vector<512x256xf32>
      %get3A_21 = arith.constant 0 : index
      %get3A_22 = arith.constant 0 : index
      %get3A_23 = vector.load %arg1[%get3A_21, %get3A_22] : memref<1x768xf32, #tpu.memory_space<vmem>>, vector<1x256xf32>
      %add3A = vector.broadcast %get3A_23 : vector<1x256xf32> to vector<512x256xf32>
      %add3A_24 = arith.addf %dot_general3A_20, %add3A : vector<512x256xf32>
      %get3A_25 = arith.constant 0 : index
      %get3A_26 = arith.constant 0 : index
      %get3A_27 = vector.load %arg6[%get3A_25, %get3A_26] : memref<8x256xf32, #tpu.memory_space<vmem>>, vector<8x256xf32>
      %dot_general3A_28 = arith.constant dense<0.000000e+00> : vector<512x256xf32>
      %dot_general3A_29 = tpu.matmul %get3A_16, %get3A_27, %dot_general3A_28 {dimension_numbers = #tpu.dot_dimension_numbers<[1], [0], [0], [1], [0, 0, 1, 1], [], []>, transpose_lhs_hint = false} : vector<512x8xf32>, vector<8x256xf32>, vector<512x256xf32> -> vector<512x256xf32>
      %get3A_30 = arith.constant 0 : index
      %get3A_31 = arith.constant 256 : index
      %get3A_32 = vector.load %arg1[%get3A_30, %get3A_31] : memref<1x768xf32, #tpu.memory_space<vmem>>, vector<1x256xf32>
      %add3A_33 = vector.broadcast %get3A_32 : vector<1x256xf32> to vector<512x256xf32>
      %add3A_34 = arith.addf %dot_general3A_29, %add3A_33 : vector<512x256xf32>
      %get3A_35 = arith.constant 0 : index
      %get3A_36 = arith.constant 0 : index
      %get3A_37 = vector.load %arg7[%get3A_35, %get3A_36] : memref<8x256xf32, #tpu.memory_space<vmem>>, vector<8x256xf32>
      %dot_general3A_38 = arith.constant dense<0.000000e+00> : vector<512x256xf32>
      %dot_general3A_39 = tpu.matmul %get3A_16, %get3A_37, %dot_general3A_38 {dimension_numbers = #tpu.dot_dimension_numbers<[1], [0], [0], [1], [0, 0, 1, 1], [], []>, transpose_lhs_hint = false} : vector<512x8xf32>, vector<8x256xf32>, vector<512x256xf32> -> vector<512x256xf32>
      %get3A_40 = arith.constant 0 : index
      %get3A_41 = arith.constant 512 : index
      %get3A_42 = vector.load %arg1[%get3A_40, %get3A_41] : memref<1x768xf32, #tpu.memory_space<vmem>>, vector<1x256xf32>
      %add3A_43 = vector.broadcast %get3A_42 : vector<1x256xf32> to vector<512x256xf32>
      %add3A_44 = arith.addf %dot_general3A_39, %add3A_43 : vector<512x256xf32>
      %get3A_45 = arith.constant 0 : index
      %get3A_46 = arith.constant 0 : index
      %get3A_47 = vector.load %arg8[%get3A_45, %get3A_46] : memref<256x256xf32, #tpu.memory_space<vmem>>, vector<256x256xf32>
      %dot_general3A_48 = arith.constant dense<0.000000e+00> : vector<512x256xf32>
      %dot_general3A_49 = tpu.matmul %scan3A_11, %get3A_47, %dot_general3A_48 {dimension_numbers = #tpu.dot_dimension_numbers<[1], [0], [0], [1], [0, 0, 1, 1], [], []>, transpose_lhs_hint = false} : vector<512x256xf32>, vector<256x256xf32>, vector<512x256xf32> -> vector<512x256xf32>
      %get3A_50 = arith.constant 0 : index
      %get3A_51 = arith.constant 0 : index
      %get3A_52 = vector.load %arg2[%get3A_50, %get3A_51] : memref<1x768xf32, #tpu.memory_space<vmem>>, vector<1x256xf32>
      %add3A_53 = vector.broadcast %get3A_52 : vector<1x256xf32> to vector<512x256xf32>
      %add3A_54 = arith.addf %dot_general3A_49, %add3A_53 : vector<512x256xf32>
      %get3A_55 = arith.constant 0 : index
      %get3A_56 = arith.constant 0 : index
      %get3A_57 = vector.load %arg9[%get3A_55, %get3A_56] : memref<256x256xf32, #tpu.memory_space<vmem>>, vector<256x256xf32>
      %dot_general3A_58 = arith.constant dense<0.000000e+00> : vector<512x256xf32>
      %dot_general3A_59 = tpu.matmul %scan3A_11, %get3A_57, %dot_general3A_58 {dimension_numbers = #tpu.dot_dimension_numbers<[1], [0], [0], [1], [0, 0, 1, 1], [], []>, transpose_lhs_hint = false} : vector<512x256xf32>, vector<256x256xf32>, vector<512x256xf32> -> vector<512x256xf32>
      %get3A_60 = arith.constant 0 : index
      %get3A_61 = arith.constant 256 : index
      %get3A_62 = vector.load %arg2[%get3A_60, %get3A_61] : memref<1x768xf32, #tpu.memory_space<vmem>>, vector<1x256xf32>
      %add3A_63 = vector.broadcast %get3A_62 : vector<1x256xf32> to vector<512x256xf32>
      %add3A_64 = arith.addf %dot_general3A_59, %add3A_63 : vector<512x256xf32>
      %get3A_65 = arith.constant 0 : index
      %get3A_66 = arith.constant 0 : index
      %get3A_67 = vector.load %arg10[%get3A_65, %get3A_66] : memref<256x256xf32, #tpu.memory_space<vmem>>, vector<256x256xf32>
      %dot_general3A_68 = arith.constant dense<0.000000e+00> : vector<512x256xf32>
      %dot_general3A_69 = tpu.matmul %scan3A_11, %get3A_67, %dot_general3A_68 {dimension_numbers = #tpu.dot_dimension_numbers<[1], [0], [0], [1], [0, 0, 1, 1], [], []>, transpose_lhs_hint = false} : vector<512x256xf32>, vector<256x256xf32>, vector<512x256xf32> -> vector<512x256xf32>
      %get3A_70 = arith.constant 0 : index
      %get3A_71 = arith.constant 512 : index
      %get3A_72 = vector.load %arg2[%get3A_70, %get3A_71] : memref<1x768xf32, #tpu.memory_space<vmem>>, vector<1x256xf32>
      %add3A_73 = vector.broadcast %get3A_72 : vector<1x256xf32> to vector<512x256xf32>
      %add3A_74 = arith.addf %dot_general3A_69, %add3A_73 : vector<512x256xf32>
      %add3A_75 = arith.addf %add3A_24, %add3A_54 : vector<512x256xf32>
      %logistic3A = arith.negf %add3A_75 : vector<512x256xf32>
      %logistic3A_76 = math.exp %logistic3A : vector<512x256xf32>
      %logistic3A_77 = arith.constant 1.000000e+00 : f32
      %logistic3A_78 = vector.broadcast %logistic3A_77 : f32 to vector<512x256xf32>
      %logistic3A_79 = arith.addf %logistic3A_78, %logistic3A_76 : vector<512x256xf32>
      %logistic3A_80 = arith.divf %logistic3A_78, %logistic3A_79 : vector<512x256xf32>
      %add3A_81 = arith.addf %add3A_34, %add3A_64 : vector<512x256xf32>
      %logistic3A_82 = arith.negf %add3A_81 : vector<512x256xf32>
      %logistic3A_83 = math.exp %logistic3A_82 : vector<512x256xf32>
      %logistic3A_84 = arith.constant 1.000000e+00 : f32
      %logistic3A_85 = vector.broadcast %logistic3A_84 : f32 to vector<512x256xf32>
      %logistic3A_86 = arith.addf %logistic3A_85, %logistic3A_83 : vector<512x256xf32>
      %logistic3A_87 = arith.divf %logistic3A_85, %logistic3A_86 : vector<512x256xf32>
      %mul3A = arith.mulf %logistic3A_80, %add3A_74 : vector<512x256xf32>
      %add3A_88 = arith.addf %add3A_44, %mul3A : vector<512x256xf32>
      %tanh3A = math.tanh %add3A_88 : vector<512x256xf32>
      %sub3A = arith.constant 1.000000e+00 : f32
      %sub3A_89 = vector.broadcast %sub3A : f32 to vector<512x256xf32>
      %sub3A_90 = arith.subf %sub3A_89, %logistic3A_87 : vector<512x256xf32>
      %mul3A_91 = arith.mulf %sub3A_90, %tanh3A : vector<512x256xf32>
      %mul3A_92 = arith.mulf %logistic3A_87, %scan3A_11 : vector<512x256xf32>
      %add3A_93 = arith.addf %mul3A_91, %mul3A_92 : vector<512x256xf32>
      %get3A_94 = arith.constant 0 : index
      %get3A_95 = arith.constant 0 : index
      %get3A_96 = vector.load %arg11[%get3A_94, %get3A_95] : memref<256x256xf32, #tpu.memory_space<vmem>>, vector<256x256xf32>
      %dot_general3A_97 = arith.constant dense<0.000000e+00> : vector<512x256xf32>
      %dot_general3A_98 = tpu.matmul %add3A_93, %get3A_96, %dot_general3A_97 {dimension_numbers = #tpu.dot_dimension_numbers<[1], [0], [0], [1], [0, 0, 1, 1], [], []>, transpose_lhs_hint = false} : vector<512x256xf32>, vector<256x256xf32>, vector<512x256xf32> -> vector<512x256xf32>
      %get3A_99 = arith.constant 0 : index
      %get3A_100 = arith.constant 0 : index
      %get3A_101 = vector.load %arg3[%get3A_99, %get3A_100] : memref<1x768xf32, #tpu.memory_space<vmem>>, vector<1x256xf32>
      %add3A_102 = vector.broadcast %get3A_101 : vector<1x256xf32> to vector<512x256xf32>
      %add3A_103 = arith.addf %dot_general3A_98, %add3A_102 : vector<512x256xf32>
      %get3A_104 = arith.constant 0 : index
      %get3A_105 = arith.constant 0 : index
      %get3A_106 = vector.load %arg12[%get3A_104, %get3A_105] : memref<256x256xf32, #tpu.memory_space<vmem>>, vector<256x256xf32>
      %dot_general3A_107 = arith.constant dense<0.000000e+00> : vector<512x256xf32>
      %dot_general3A_108 = tpu.matmul %add3A_93, %get3A_106, %dot_general3A_107 {dimension_numbers = #tpu.dot_dimension_numbers<[1], [0], [0], [1], [0, 0, 1, 1], [], []>, transpose_lhs_hint = false} : vector<512x256xf32>, vector<256x256xf32>, vector<512x256xf32> -> vector<512x256xf32>
      %get3A_109 = arith.constant 0 : index
      %get3A_110 = arith.constant 256 : index
      %get3A_111 = vector.load %arg3[%get3A_109, %get3A_110] : memref<1x768xf32, #tpu.memory_space<vmem>>, vector<1x256xf32>
      %add3A_112 = vector.broadcast %get3A_111 : vector<1x256xf32> to vector<512x256xf32>
      %add3A_113 = arith.addf %dot_general3A_108, %add3A_112 : vector<512x256xf32>
      %get3A_114 = arith.constant 0 : index
      %get3A_115 = arith.constant 0 : index
      %get3A_116 = vector.load %arg13[%get3A_114, %get3A_115] : memref<256x256xf32, #tpu.memory_space<vmem>>, vector<256x256xf32>
      %dot_general3A_117 = arith.constant dense<0.000000e+00> : vector<512x256xf32>
      %dot_general3A_118 = tpu.matmul %add3A_93, %get3A_116, %dot_general3A_117 {dimension_numbers = #tpu.dot_dimension_numbers<[1], [0], [0], [1], [0, 0, 1, 1], [], []>, transpose_lhs_hint = false} : vector<512x256xf32>, vector<256x256xf32>, vector<512x256xf32> -> vector<512x256xf32>
      %get3A_119 = arith.constant 0 : index
      %get3A_120 = arith.constant 512 : index
      %get3A_121 = vector.load %arg3[%get3A_119, %get3A_120] : memref<1x768xf32, #tpu.memory_space<vmem>>, vector<1x256xf32>
      %add3A_122 = vector.broadcast %get3A_121 : vector<1x256xf32> to vector<512x256xf32>
      %add3A_123 = arith.addf %dot_general3A_118, %add3A_122 : vector<512x256xf32>
      %get3A_124 = arith.constant 0 : index
      %get3A_125 = arith.constant 0 : index
      %get3A_126 = vector.load %arg14[%get3A_124, %get3A_125] : memref<256x256xf32, #tpu.memory_space<vmem>>, vector<256x256xf32>
      %dot_general3A_127 = arith.constant dense<0.000000e+00> : vector<512x256xf32>
      %dot_general3A_128 = tpu.matmul %scan3A_12, %get3A_126, %dot_general3A_127 {dimension_numbers = #tpu.dot_dimension_numbers<[1], [0], [0], [1], [0, 0, 1, 1], [], []>, transpose_lhs_hint = false} : vector<512x256xf32>, vector<256x256xf32>, vector<512x256xf32> -> vector<512x256xf32>
      %get3A_129 = arith.constant 0 : index
      %get3A_130 = arith.constant 0 : index
      %get3A_131 = vector.load %arg4[%get3A_129, %get3A_130] : memref<1x768xf32, #tpu.memory_space<vmem>>, vector<1x256xf32>
      %add3A_132 = vector.broadcast %get3A_131 : vector<1x256xf32> to vector<512x256xf32>
      %add3A_133 = arith.addf %dot_general3A_128, %add3A_132 : vector<512x256xf32>
      %get3A_134 = arith.constant 0 : index
      %get3A_135 = arith.constant 0 : index
      %get3A_136 = vector.load %arg15[%get3A_134, %get3A_135] : memref<256x256xf32, #tpu.memory_space<vmem>>, vector<256x256xf32>
      %dot_general3A_137 = arith.constant dense<0.000000e+00> : vector<512x256xf32>
      %dot_general3A_138 = tpu.matmul %scan3A_12, %get3A_136, %dot_general3A_137 {dimension_numbers = #tpu.dot_dimension_numbers<[1], [0], [0], [1], [0, 0, 1, 1], [], []>, transpose_lhs_hint = false} : vector<512x256xf32>, vector<256x256xf32>, vector<512x256xf32> -> vector<512x256xf32>
      %get3A_139 = arith.constant 0 : index
      %get3A_140 = arith.constant 256 : index
      %get3A_141 = vector.load %arg4[%get3A_139, %get3A_140] : memref<1x768xf32, #tpu.memory_space<vmem>>, vector<1x256xf32>
      %add3A_142 = vector.broadcast %get3A_141 : vector<1x256xf32> to vector<512x256xf32>
      %add3A_143 = arith.addf %dot_general3A_138, %add3A_142 : vector<512x256xf32>
      %get3A_144 = arith.constant 0 : index
      %get3A_145 = arith.constant 0 : index
      %get3A_146 = vector.load %arg16[%get3A_144, %get3A_145] : memref<256x256xf32, #tpu.memory_space<vmem>>, vector<256x256xf32>
      %dot_general3A_147 = arith.constant dense<0.000000e+00> : vector<512x256xf32>
      %dot_general3A_148 = tpu.matmul %scan3A_12, %get3A_146, %dot_general3A_147 {dimension_numbers = #tpu.dot_dimension_numbers<[1], [0], [0], [1], [0, 0, 1, 1], [], []>, transpose_lhs_hint = false} : vector<512x256xf32>, vector<256x256xf32>, vector<512x256xf32> -> vector<512x256xf32>
      %get3A_149 = arith.constant 0 : index
      %get3A_150 = arith.constant 512 : index
      %get3A_151 = vector.load %arg4[%get3A_149, %get3A_150] : memref<1x768xf32, #tpu.memory_space<vmem>>, vector<1x256xf32>
      %add3A_152 = vector.broadcast %get3A_151 : vector<1x256xf32> to vector<512x256xf32>
      %add3A_153 = arith.addf %dot_general3A_148, %add3A_152 : vector<512x256xf32>
      %add3A_154 = arith.addf %add3A_103, %add3A_133 : vector<512x256xf32>
      %logistic3A_155 = arith.negf %add3A_154 : vector<512x256xf32>
      %logistic3A_156 = math.exp %logistic3A_155 : vector<512x256xf32>
      %logistic3A_157 = arith.constant 1.000000e+00 : f32
      %logistic3A_158 = vector.broadcast %logistic3A_157 : f32 to vector<512x256xf32>
      %logistic3A_159 = arith.addf %logistic3A_158, %logistic3A_156 : vector<512x256xf32>
      %logistic3A_160 = arith.divf %logistic3A_158, %logistic3A_159 : vector<512x256xf32>
      %add3A_161 = arith.addf %add3A_113, %add3A_143 : vector<512x256xf32>
      %logistic3A_162 = arith.negf %add3A_161 : vector<512x256xf32>
      %logistic3A_163 = math.exp %logistic3A_162 : vector<512x256xf32>
      %logistic3A_164 = arith.constant 1.000000e+00 : f32
      %logistic3A_165 = vector.broadcast %logistic3A_164 : f32 to vector<512x256xf32>
      %logistic3A_166 = arith.addf %logistic3A_165, %logistic3A_163 : vector<512x256xf32>
      %logistic3A_167 = arith.divf %logistic3A_165, %logistic3A_166 : vector<512x256xf32>
      %mul3A_168 = arith.mulf %logistic3A_160, %add3A_153 : vector<512x256xf32>
      %add3A_169 = arith.addf %add3A_123, %mul3A_168 : vector<512x256xf32>
      %tanh3A_170 = math.tanh %add3A_169 : vector<512x256xf32>
      %sub3A_171 = arith.constant 1.000000e+00 : f32
      %sub3A_172 = vector.broadcast %sub3A_171 : f32 to vector<512x256xf32>
      %sub3A_173 = arith.subf %sub3A_172, %logistic3A_167 : vector<512x256xf32>
      %mul3A_174 = arith.mulf %sub3A_173, %tanh3A_170 : vector<512x256xf32>
      %mul3A_175 = arith.mulf %logistic3A_167, %scan3A_12 : vector<512x256xf32>
      %add3A_176 = arith.addf %mul3A_174, %mul3A_175 : vector<512x256xf32>
      scf.yield %add3A_93, %add3A_176 : vector<512x256xf32>, vector<512x256xf32>
    }
    %scan3A_7 = arith.constant 20 : i32
    %swap3A = arith.constant 0 : index
    %swap3A_8 = arith.constant 0 : index
    %swap3A_9 = vector.load %arg17[%swap3A, %swap3A_8] : memref<512x256xf32, #tpu.memory_space<vmem>>, vector<512x256xf32>
    tpu.vector_store %arg17[%swap3A, %swap3A_8], %scan3A_6#1 {strides = array<i32>} : memref<512x256xf32, #tpu.memory_space<vmem>>, vector<512x256xf32>,
    return
  }
}

module attributes {stable_mosaic.version = 14 : i64} {
  func.func @_mlp_body(%arg0: memref<512x256xf32, #tpu.memory_space<vmem>>, %arg1: memref<256x512xf32, #tpu.memory_space<vmem>>, %arg2: memref<1x512xf32, #tpu.memory_space<vmem>>, %arg3: memref<512x512xf32, #tpu.memory_space<vmem>>, %arg4: memref<1x512xf32, #tpu.memory_space<vmem>>, %arg5: memref<512x256xf32, #tpu.memory_space<vmem>>, %arg6: memref<1x256xf32, #tpu.memory_space<vmem>>, %arg7: memref<256x256xf32, #tpu.memory_space<vmem>>, %arg8: memref<128x256xf32, #tpu.memory_space<vmem>>, %arg9: memref<256x128xf32, #tpu.memory_space<vmem>>, %arg10: memref<512x256xf32, #tpu.memory_space<vmem>>, %arg11: memref<512x256xf32, #tpu.memory_space<vmem>>, %arg12: memref<8x16xi32, #tpu.memory_space<vmem>>) attributes {dimension_semantics = [], scalar_prefetch = 0 : i64, scratch_operands = 0 : i64, tpu.core_type = #tpu.core_type<tc>} {
    %get3A = arith.constant 0 : index
    %get3A_0 = arith.constant 0 : index
    %get3A_1 = vector.load %arg0[%get3A, %get3A_0] : memref<512x256xf32, #tpu.memory_space<vmem>>, vector<512x256xf32>
    %get3A_2 = arith.constant 0 : index
    %get3A_3 = arith.constant 0 : index
    %get3A_4 = vector.load %arg1[%get3A_2, %get3A_3] : memref<256x512xf32, #tpu.memory_space<vmem>>, vector<256x512xf32>
    %dot_general3A = arith.constant dense<0.000000e+00> : vector<512x512xf32>
    %dot_general3A_5 = tpu.matmul %get3A_1, %get3A_4, %dot_general3A {dimension_numbers = #tpu.dot_dimension_numbers<[1], [0], [0], [1], [0, 0, 1, 1], [], []>, transpose_lhs_hint = false} : vector<512x256xf32>, vector<256x512xf32>, vector<512x512xf32> -> vector<512x512xf32>
    %get3A_6 = arith.constant 0 : index
    %get3A_7 = arith.constant 0 : index
    %get3A_8 = vector.load %arg2[%get3A_6, %get3A_7] : memref<1x512xf32, #tpu.memory_space<vmem>>, vector<1x512xf32>
    %add3A = vector.broadcast %get3A_8 : vector<1x512xf32> to vector<512x512xf32>
    %add3A_9 = arith.addf %dot_general3A_5, %add3A : vector<512x512xf32>
    %ge3A = arith.constant 0.000000e+00 : f32
    %ge3A_10 = vector.broadcast %ge3A : f32 to vector<512x512xf32>
    %ge3A_11 = arith.cmpf oge, %add3A_9, %ge3A_10 : vector<512x512xf32>
    %mul3A = arith.constant 0.00999999977 : f32
    %mul3A_12 = vector.broadcast %mul3A : f32 to vector<512x512xf32>
    %mul3A_13 = arith.mulf %mul3A_12, %add3A_9 : vector<512x512xf32>
    %select_n3A = arith.select %ge3A_11, %add3A_9, %mul3A_13 : vector<512x512xi1>, vector<512x512xf32>
    %get3A_14 = arith.constant 0 : index
    %get3A_15 = arith.constant 0 : index
    %get3A_16 = vector.load %arg3[%get3A_14, %get3A_15] : memref<512x512xf32, #tpu.memory_space<vmem>>, vector<512x512xf32>
    %dot_general3A_17 = arith.constant dense<0.000000e+00> : vector<512x512xf32>
    %dot_general3A_18 = tpu.matmul %select_n3A, %get3A_16, %dot_general3A_17 {dimension_numbers = #tpu.dot_dimension_numbers<[1], [0], [0], [1], [0, 0, 1, 1], [], []>, transpose_lhs_hint = false} : vector<512x512xf32>, vector<512x512xf32>, vector<512x512xf32> -> vector<512x512xf32>
    %get3A_19 = arith.constant 0 : index
    %get3A_20 = arith.constant 0 : index
    %get3A_21 = vector.load %arg4[%get3A_19, %get3A_20] : memref<1x512xf32, #tpu.memory_space<vmem>>, vector<1x512xf32>
    %add3A_22 = vector.broadcast %get3A_21 : vector<1x512xf32> to vector<512x512xf32>
    %add3A_23 = arith.addf %dot_general3A_18, %add3A_22 : vector<512x512xf32>
    %ge3A_24 = arith.constant 0.000000e+00 : f32
    %ge3A_25 = vector.broadcast %ge3A_24 : f32 to vector<512x512xf32>
    %ge3A_26 = arith.cmpf oge, %add3A_23, %ge3A_25 : vector<512x512xf32>
    %mul3A_27 = arith.constant 0.00999999977 : f32
    %mul3A_28 = vector.broadcast %mul3A_27 : f32 to vector<512x512xf32>
    %mul3A_29 = arith.mulf %mul3A_28, %add3A_23 : vector<512x512xf32>
    %select_n3A_30 = arith.select %ge3A_26, %add3A_23, %mul3A_29 : vector<512x512xi1>, vector<512x512xf32>
    %get3A_31 = arith.constant 0 : index
    %get3A_32 = arith.constant 0 : index
    %get3A_33 = vector.load %arg5[%get3A_31, %get3A_32] : memref<512x256xf32, #tpu.memory_space<vmem>>, vector<512x256xf32>
    %dot_general3A_34 = arith.constant dense<0.000000e+00> : vector<512x256xf32>
    %dot_general3A_35 = tpu.matmul %select_n3A_30, %get3A_33, %dot_general3A_34 {dimension_numbers = #tpu.dot_dimension_numbers<[1], [0], [0], [1], [0, 0, 1, 1], [], []>, transpose_lhs_hint = false} : vector<512x512xf32>, vector<512x256xf32>, vector<512x256xf32> -> vector<512x256xf32>
    %get3A_36 = arith.constant 0 : index
    %get3A_37 = arith.constant 0 : index
    %get3A_38 = vector.load %arg6[%get3A_36, %get3A_37] : memref<1x256xf32, #tpu.memory_space<vmem>>, vector<1x256xf32>
    %add3A_39 = vector.broadcast %get3A_38 : vector<1x256xf32> to vector<512x256xf32>
    %add3A_40 = arith.addf %dot_general3A_35, %add3A_39 : vector<512x256xf32>
    %ge3A_41 = arith.constant 0.000000e+00 : f32
    %ge3A_42 = vector.broadcast %ge3A_41 : f32 to vector<512x256xf32>
    %ge3A_43 = arith.cmpf oge, %add3A_40, %ge3A_42 : vector<512x256xf32>
    %mul3A_44 = arith.constant 0.00999999977 : f32
    %mul3A_45 = vector.broadcast %mul3A_44 : f32 to vector<512x256xf32>
    %mul3A_46 = arith.mulf %mul3A_45, %add3A_40 : vector<512x256xf32>
    %select_n3A_47 = arith.select %ge3A_43, %add3A_40, %mul3A_46 : vector<512x256xi1>, vector<512x256xf32>
    %swap3A = arith.constant 0 : index
    %swap3A_48 = arith.constant 0 : index
    %swap3A_49 = vector.load %arg10[%swap3A, %swap3A_48] : memref<512x256xf32, #tpu.memory_space<vmem>>, vector<512x256xf32>
    tpu.vector_store %arg10[%swap3A, %swap3A_48], %select_n3A_47 {strides = array<i32>} : memref<512x256xf32, #tpu.memory_space<vmem>>, vector<512x256xf32>,
    %get3A_50 = arith.constant 0 : index
    %get3A_51 = arith.constant 0 : index
    %get3A_52 = vector.load %arg7[%get3A_50, %get3A_51] : memref<256x256xf32, #tpu.memory_space<vmem>>, vector<256x256xf32>
    %dot_general3A_53 = arith.constant dense<0.000000e+00> : vector<512x256xf32>
    %dot_general3A_54 = tpu.matmul %select_n3A_47, %get3A_52, %dot_general3A_53 {dimension_numbers = #tpu.dot_dimension_numbers<[1], [0], [0], [1], [0, 0, 1, 1], [], []>, transpose_lhs_hint = false} : vector<512x256xf32>, vector<256x256xf32>, vector<512x256xf32> -> vector<512x256xf32>
    %swap3A_55 = arith.constant 0 : index
    %swap3A_56 = arith.constant 0 : index
    %swap3A_57 = vector.load %arg11[%swap3A_55, %swap3A_56] : memref<512x256xf32, #tpu.memory_space<vmem>>, vector<512x256xf32>
    tpu.vector_store %arg11[%swap3A_55, %swap3A_56], %dot_general3A_54 {strides = array<i32>} : memref<512x256xf32, #tpu.memory_space<vmem>>, vector<512x256xf32>,
    %slice3A = vector.extract_strided_slice %select_n3A_47 {offsets = [0, 0], sizes = [128, 256], strides = [1, 1]} : vector<512x256xf32> to vector<128x256xf32>
    %reduce_sum3A = arith.constant dense<0.000000e+00> : vector<256xf32>
    %reduce_sum3A_58 = vector.multi_reduction <add>, %slice3A, %reduce_sum3A [0] : vector<128x256xf32> to vector<256xf32>
    %broadcast_in_dim3A = vector.shape_cast %reduce_sum3A_58 : vector<256xf32> to vector<1x256xf32>
    %div3A = arith.constant 1.280000e+02 : f32
    %div3A_59 = vector.broadcast %div3A : f32 to vector<1x256xf32>
    %div3A_60 = arith.divf %broadcast_in_dim3A, %div3A_59 : vector<1x256xf32>
    %slice3A_61 = vector.extract_strided_slice %select_n3A_47 {offsets = [128, 0], sizes = [128, 256], strides = [1, 1]} : vector<512x256xf32> to vector<128x256xf32>
    %reduce_sum3A_62 = arith.constant dense<0.000000e+00> : vector<256xf32>
    %reduce_sum3A_63 = vector.multi_reduction <add>, %slice3A_61, %reduce_sum3A_62 [0] : vector<128x256xf32> to vector<256xf32>
    %broadcast_in_dim3A_64 = vector.shape_cast %reduce_sum3A_63 : vector<256xf32> to vector<1x256xf32>
    %div3A_65 = arith.constant 1.280000e+02 : f32
    %div3A_66 = vector.broadcast %div3A_65 : f32 to vector<1x256xf32>
    %div3A_67 = arith.divf %broadcast_in_dim3A_64, %div3A_66 : vector<1x256xf32>
    %slice3A_68 = vector.extract_strided_slice %select_n3A_47 {offsets = [256, 0], sizes = [128, 256], strides = [1, 1]} : vector<512x256xf32> to vector<128x256xf32>
    %reduce_sum3A_69 = arith.constant dense<0.000000e+00> : vector<256xf32>
    %reduce_sum3A_70 = vector.multi_reduction <add>, %slice3A_68, %reduce_sum3A_69 [0] : vector<128x256xf32> to vector<256xf32>
    %broadcast_in_dim3A_71 = vector.shape_cast %reduce_sum3A_70 : vector<256xf32> to vector<1x256xf32>
    %div3A_72 = arith.constant 1.280000e+02 : f32
    %div3A_73 = vector.broadcast %div3A_72 : f32 to vector<1x256xf32>
    %div3A_74 = arith.divf %broadcast_in_dim3A_71, %div3A_73 : vector<1x256xf32>
    %slice3A_75 = vector.extract_strided_slice %select_n3A_47 {offsets = [384, 0], sizes = [128, 256], strides = [1, 1]} : vector<512x256xf32> to vector<128x256xf32>
    %reduce_sum3A_76 = arith.constant dense<0.000000e+00> : vector<256xf32>
    %reduce_sum3A_77 = vector.multi_reduction <add>, %slice3A_75, %reduce_sum3A_76 [0] : vector<128x256xf32> to vector<256xf32>
    %broadcast_in_dim3A_78 = vector.shape_cast %reduce_sum3A_77 : vector<256xf32> to vector<1x256xf32>
    %div3A_79 = arith.constant 1.280000e+02 : f32
    %div3A_80 = vector.broadcast %div3A_79 : f32 to vector<1x256xf32>
    %div3A_81 = arith.divf %broadcast_in_dim3A_78, %div3A_80 : vector<1x256xf32>
    %broadcast_in_dim3A_82 = arith.constant 0.000000e+00 : f32
    %broadcast_in_dim3A_83 = vector.broadcast %broadcast_in_dim3A_82 : f32 to vector<4x256xf32>
    %concatenate3A = tpu.concatenate %div3A_60, %div3A_67, %div3A_74, %div3A_81, %broadcast_in_dim3A_83 in 0 : vector<1x256xf32>, vector<1x256xf32>, vector<1x256xf32>, vector<1x256xf32>, vector<4x256xf32> -> vector<8x256xf32>
    %get3A_84 = arith.constant 0 : index
    %get3A_85 = arith.constant 0 : index
    %get3A_86 = vector.load %arg8[%get3A_84, %get3A_85] : memref<128x256xf32, #tpu.memory_space<vmem>>, vector<128x256xf32>
    %get3A_87 = arith.constant 0 : index
    %get3A_88 = arith.constant 0 : index
    %get3A_89 = vector.load %arg9[%get3A_87, %get3A_88] : memref<256x128xf32, #tpu.memory_space<vmem>>, vector<256x128xf32>
    %mul3A_90 = arith.mulf %concatenate3A, %concatenate3A : vector<8x256xf32>
    %reduce_sum3A_91 = arith.constant dense<0.000000e+00> : vector<8xf32>
    %reduce_sum3A_92 = vector.multi_reduction <add>, %mul3A_90, %reduce_sum3A_91 [1] : vector<8x256xf32> to vector<8xf32>
    %broadcast_in_dim3A_93 = vector.shape_cast %reduce_sum3A_92 : vector<8xf32> to vector<8x1xf32>
    %sqrt3A = math.sqrt %broadcast_in_dim3A_93 : vector<8x1xf32>
    %mul3A_94 = arith.mulf %get3A_89, %get3A_89 : vector<256x128xf32>
    %reduce_sum3A_95 = arith.constant dense<0.000000e+00> : vector<128xf32>
    %reduce_sum3A_96 = vector.multi_reduction <add>, %mul3A_94, %reduce_sum3A_95 [0] : vector<256x128xf32> to vector<128xf32>
    %broadcast_in_dim3A_97 = vector.shape_cast %reduce_sum3A_96 : vector<128xf32> to vector<1x128xf32>
    %sqrt3A_98 = math.sqrt %broadcast_in_dim3A_97 : vector<1x128xf32>
    %dot_general3A_99 = arith.constant dense<0.000000e+00> : vector<8x128xf32>
    %dot_general3A_100 = tpu.matmul %concatenate3A, %get3A_86, %dot_general3A_99 {dimension_numbers = #tpu.dot_dimension_numbers<[1], [1], [0], [0], [0, 0, 1, 0], [], []>, transpose_lhs_hint = false} : vector<8x256xf32>, vector<128x256xf32>, vector<8x128xf32> -> vector<8x128xf32>
    %mul3A_101 = vector.broadcast %sqrt3A : vector<8x1xf32> to vector<8x128xf32>
    %mul3A_102 = vector.broadcast %sqrt3A_98 : vector<1x128xf32> to vector<8x128xf32>
    %mul3A_103 = arith.mulf %mul3A_101, %mul3A_102 : vector<8x128xf32>
    %div3A_104 = arith.divf %dot_general3A_100, %mul3A_103 : vector<8x128xf32>
    %ne3A = arith.cmpf one, %div3A_104, %div3A_104 : vector<8x128xf32>
    %jit3A = arith.constant 0.000000e+00 : f32
    %broadcast_in_dim3A_105 = vector.broadcast %jit3A : f32 to vector<8x128xf32>
    %select_n3A_106 = arith.select %ne3A, %broadcast_in_dim3A_105, %div3A_104 : vector<8x128xi1>, vector<8x128xf32>
    %iota3A = tpu.iota {dimensions = array<i32: 1>} : vector<8x128xi32>
    %iota3A_107 = tpu.iota {dimensions = array<i32: 1>} : vector<8x16xi32>
    %broadcast_in_dim3A_108 = arith.constant 0 : i32
    %broadcast_in_dim3A_109 = vector.broadcast %broadcast_in_dim3A_108 : i32 to vector<8x16xi32>
    %reduce_max3A = arith.constant dense<0xFF800000> : vector<8xf32>
    %reduce_max3A_110 = vector.multi_reduction <maximumf>, %select_n3A_106, %reduce_max3A [1] : vector<8x128xf32> to vector<8xf32>
    %broadcast_in_dim3A_111 = vector.shape_cast %reduce_max3A_110 : vector<8xf32> to vector<8x1xf32>
    %eq3A = vector.broadcast %broadcast_in_dim3A_111 : vector<8x1xf32> to vector<8x128xf32>
    %eq3A_112 = arith.cmpf oeq, %select_n3A_106, %eq3A : vector<8x128xf32>
    %jit3A_113 = arith.constant 128 : i32
    %broadcast_in_dim3A_114 = vector.broadcast %jit3A_113 : i32 to vector<8x128xi32>
    %select_n3A_115 = arith.select %eq3A_112, %iota3A, %broadcast_in_dim3A_114 : vector<8x128xi1>, vector<8x128xi32>
    %reduce_min3A = arith.constant dense<2147483647> : vector<8xi32>
    %reduce_min3A_116 = vector.multi_reduction <minsi>, %select_n3A_115, %reduce_min3A [1] : vector<8x128xi32> to vector<8xi32>
    %broadcast_in_dim3A_117 = vector.shape_cast %reduce_min3A_116 : vector<8xi32> to vector<8x1xi32>
    %eq3A_118 = arith.constant 0 : i32
    %eq3A_119 = vector.broadcast %eq3A_118 : i32 to vector<8x16xi32>
    %eq3A_120 = arith.cmpi eq, %iota3A_107, %eq3A_119 : vector<8x16xi32>
    %broadcast_in_dim3A_121 = vector.shape_cast %broadcast_in_dim3A_117 : vector<8x1xi32> to vector<8x1xi32>
    %broadcast_in_dim3A_122 = vector.broadcast %broadcast_in_dim3A_121 : vector<8x1xi32> to vector<8x16xi32>
    %select_n3A_123 = arith.select %eq3A_120, %broadcast_in_dim3A_122, %broadcast_in_dim3A_109 : vector<8x16xi1>, vector<8x16xi32>
    %eq3A_124 = vector.broadcast %broadcast_in_dim3A_117 : vector<8x1xi32> to vector<8x128xi32>
    %eq3A_125 = arith.cmpi eq, %iota3A, %eq3A_124 : vector<8x128xi32>
    %jit3A_126 = arith.constant -1.000000e+30 : f32
    %broadcast_in_dim3A_127 = vector.broadcast %jit3A_126 : f32 to vector<8x128xf32>
    %select_n3A_128 = arith.select %eq3A_125, %broadcast_in_dim3A_127, %select_n3A_106 : vector<8x128xi1>, vector<8x128xf32>
    %reduce_max3A_129 = arith.constant dense<0xFF800000> : vector<8xf32>
    %reduce_max3A_130 = vector.multi_reduction <maximumf>, %select_n3A_128, %reduce_max3A_129 [1] : vector<8x128xf32> to vector<8xf32>
    %broadcast_in_dim3A_131 = vector.shape_cast %reduce_max3A_130 : vector<8xf32> to vector<8x1xf32>
    %eq3A_132 = vector.broadcast %broadcast_in_dim3A_131 : vector<8x1xf32> to vector<8x128xf32>
    %eq3A_133 = arith.cmpf oeq, %select_n3A_128, %eq3A_132 : vector<8x128xf32>
    %jit3A_134 = arith.constant 128 : i32
    %broadcast_in_dim3A_135 = vector.broadcast %jit3A_134 : i32 to vector<8x128xi32>
    %select_n3A_136 = arith.select %eq3A_133, %iota3A, %broadcast_in_dim3A_135 : vector<8x128xi1>, vector<8x128xi32>
    %reduce_min3A_137 = arith.constant dense<2147483647> : vector<8xi32>
    %reduce_min3A_138 = vector.multi_reduction <minsi>, %select_n3A_136, %reduce_min3A_137 [1] : vector<8x128xi32> to vector<8xi32>
    %broadcast_in_dim3A_139 = vector.shape_cast %reduce_min3A_138 : vector<8xi32> to vector<8x1xi32>
    %eq3A_140 = arith.constant 1 : i32
    %eq3A_141 = vector.broadcast %eq3A_140 : i32 to vector<8x16xi32>
    %eq3A_142 = arith.cmpi eq, %iota3A_107, %eq3A_141 : vector<8x16xi32>
    %broadcast_in_dim3A_143 = vector.shape_cast %broadcast_in_dim3A_139 : vector<8x1xi32> to vector<8x1xi32>
    %broadcast_in_dim3A_144 = vector.broadcast %broadcast_in_dim3A_143 : vector<8x1xi32> to vector<8x16xi32>
    %select_n3A_145 = arith.select %eq3A_142, %broadcast_in_dim3A_144, %select_n3A_123 : vector<8x16xi1>, vector<8x16xi32>
    %eq3A_146 = vector.broadcast %broadcast_in_dim3A_139 : vector<8x1xi32> to vector<8x128xi32>
    %eq3A_147 = arith.cmpi eq, %iota3A, %eq3A_146 : vector<8x128xi32>
    %jit3A_148 = arith.constant -1.000000e+30 : f32
    %broadcast_in_dim3A_149 = vector.broadcast %jit3A_148 : f32 to vector<8x128xf32>
    %select_n3A_150 = arith.select %eq3A_147, %broadcast_in_dim3A_149, %select_n3A_128 : vector<8x128xi1>, vector<8x128xf32>
    %reduce_max3A_151 = arith.constant dense<0xFF800000> : vector<8xf32>
    %reduce_max3A_152 = vector.multi_reduction <maximumf>, %select_n3A_150, %reduce_max3A_151 [1] : vector<8x128xf32> to vector<8xf32>
    %broadcast_in_dim3A_153 = vector.shape_cast %reduce_max3A_152 : vector<8xf32> to vector<8x1xf32>
    %eq3A_154 = vector.broadcast %broadcast_in_dim3A_153 : vector<8x1xf32> to vector<8x128xf32>
    %eq3A_155 = arith.cmpf oeq, %select_n3A_150, %eq3A_154 : vector<8x128xf32>
    %jit3A_156 = arith.constant 128 : i32
    %broadcast_in_dim3A_157 = vector.broadcast %jit3A_156 : i32 to vector<8x128xi32>
    %select_n3A_158 = arith.select %eq3A_155, %iota3A, %broadcast_in_dim3A_157 : vector<8x128xi1>, vector<8x128xi32>
    %reduce_min3A_159 = arith.constant dense<2147483647> : vector<8xi32>
    %reduce_min3A_160 = vector.multi_reduction <minsi>, %select_n3A_158, %reduce_min3A_159 [1] : vector<8x128xi32> to vector<8xi32>
    %broadcast_in_dim3A_161 = vector.shape_cast %reduce_min3A_160 : vector<8xi32> to vector<8x1xi32>
    %eq3A_162 = arith.constant 2 : i32
    %eq3A_163 = vector.broadcast %eq3A_162 : i32 to vector<8x16xi32>
    %eq3A_164 = arith.cmpi eq, %iota3A_107, %eq3A_163 : vector<8x16xi32>
    %broadcast_in_dim3A_165 = vector.shape_cast %broadcast_in_dim3A_161 : vector<8x1xi32> to vector<8x1xi32>
    %broadcast_in_dim3A_166 = vector.broadcast %broadcast_in_dim3A_165 : vector<8x1xi32> to vector<8x16xi32>
    %select_n3A_167 = arith.select %eq3A_164, %broadcast_in_dim3A_166, %select_n3A_145 : vector<8x16xi1>, vector<8x16xi32>
    %eq3A_168 = vector.broadcast %broadcast_in_dim3A_161 : vector<8x1xi32> to vector<8x128xi32>
    %eq3A_169 = arith.cmpi eq, %iota3A, %eq3A_168 : vector<8x128xi32>
    %jit3A_170 = arith.constant -1.000000e+30 : f32
    %broadcast_in_dim3A_171 = vector.broadcast %jit3A_170 : f32 to vector<8x128xf32>
    %select_n3A_172 = arith.select %eq3A_169, %broadcast_in_dim3A_171, %select_n3A_150 : vector<8x128xi1>, vector<8x128xf32>
    %reduce_max3A_173 = arith.constant dense<0xFF800000> : vector<8xf32>
    %reduce_max3A_174 = vector.multi_reduction <maximumf>, %select_n3A_172, %reduce_max3A_173 [1] : vector<8x128xf32> to vector<8xf32>
    %broadcast_in_dim3A_175 = vector.shape_cast %reduce_max3A_174 : vector<8xf32> to vector<8x1xf32>
    %eq3A_176 = vector.broadcast %broadcast_in_dim3A_175 : vector<8x1xf32> to vector<8x128xf32>
    %eq3A_177 = arith.cmpf oeq, %select_n3A_172, %eq3A_176 : vector<8x128xf32>
    %jit3A_178 = arith.constant 128 : i32
    %broadcast_in_dim3A_179 = vector.broadcast %jit3A_178 : i32 to vector<8x128xi32>
    %select_n3A_180 = arith.select %eq3A_177, %iota3A, %broadcast_in_dim3A_179 : vector<8x128xi1>, vector<8x128xi32>
    %reduce_min3A_181 = arith.constant dense<2147483647> : vector<8xi32>
    %reduce_min3A_182 = vector.multi_reduction <minsi>, %select_n3A_180, %reduce_min3A_181 [1] : vector<8x128xi32> to vector<8xi32>
    %broadcast_in_dim3A_183 = vector.shape_cast %reduce_min3A_182 : vector<8xi32> to vector<8x1xi32>
    %eq3A_184 = arith.constant 3 : i32
    %eq3A_185 = vector.broadcast %eq3A_184 : i32 to vector<8x16xi32>
    %eq3A_186 = arith.cmpi eq, %iota3A_107, %eq3A_185 : vector<8x16xi32>
    %broadcast_in_dim3A_187 = vector.shape_cast %broadcast_in_dim3A_183 : vector<8x1xi32> to vector<8x1xi32>
    %broadcast_in_dim3A_188 = vector.broadcast %broadcast_in_dim3A_187 : vector<8x1xi32> to vector<8x16xi32>
    %select_n3A_189 = arith.select %eq3A_186, %broadcast_in_dim3A_188, %select_n3A_167 : vector<8x16xi1>, vector<8x16xi32>
    %eq3A_190 = vector.broadcast %broadcast_in_dim3A_183 : vector<8x1xi32> to vector<8x128xi32>
    %eq3A_191 = arith.cmpi eq, %iota3A, %eq3A_190 : vector<8x128xi32>
    %jit3A_192 = arith.constant -1.000000e+30 : f32
    %broadcast_in_dim3A_193 = vector.broadcast %jit3A_192 : f32 to vector<8x128xf32>
    %select_n3A_194 = arith.select %eq3A_191, %broadcast_in_dim3A_193, %select_n3A_172 : vector<8x128xi1>, vector<8x128xf32>
    %reduce_max3A_195 = arith.constant dense<0xFF800000> : vector<8xf32>
    %reduce_max3A_196 = vector.multi_reduction <maximumf>, %select_n3A_194, %reduce_max3A_195 [1] : vector<8x128xf32> to vector<8xf32>
    %broadcast_in_dim3A_197 = vector.shape_cast %reduce_max3A_196 : vector<8xf32> to vector<8x1xf32>
    %eq3A_198 = vector.broadcast %broadcast_in_dim3A_197 : vector<8x1xf32> to vector<8x128xf32>
    %eq3A_199 = arith.cmpf oeq, %select_n3A_194, %eq3A_198 : vector<8x128xf32>
    %jit3A_200 = arith.constant 128 : i32
    %broadcast_in_dim3A_201 = vector.broadcast %jit3A_200 : i32 to vector<8x128xi32>
    %select_n3A_202 = arith.select %eq3A_199, %iota3A, %broadcast_in_dim3A_201 : vector<8x128xi1>, vector<8x128xi32>
    %reduce_min3A_203 = arith.constant dense<2147483647> : vector<8xi32>
    %reduce_min3A_204 = vector.multi_reduction <minsi>, %select_n3A_202, %reduce_min3A_203 [1] : vector<8x128xi32> to vector<8xi32>
    %broadcast_in_dim3A_205 = vector.shape_cast %reduce_min3A_204 : vector<8xi32> to vector<8x1xi32>
    %eq3A_206 = arith.constant 4 : i32
    %eq3A_207 = vector.broadcast %eq3A_206 : i32 to vector<8x16xi32>
    %eq3A_208 = arith.cmpi eq, %iota3A_107, %eq3A_207 : vector<8x16xi32>
    %broadcast_in_dim3A_209 = vector.shape_cast %broadcast_in_dim3A_205 : vector<8x1xi32> to vector<8x1xi32>
    %broadcast_in_dim3A_210 = vector.broadcast %broadcast_in_dim3A_209 : vector<8x1xi32> to vector<8x16xi32>
    %select_n3A_211 = arith.select %eq3A_208, %broadcast_in_dim3A_210, %select_n3A_189 : vector<8x16xi1>, vector<8x16xi32>
    %eq3A_212 = vector.broadcast %broadcast_in_dim3A_205 : vector<8x1xi32> to vector<8x128xi32>
    %eq3A_213 = arith.cmpi eq, %iota3A, %eq3A_212 : vector<8x128xi32>
    %jit3A_214 = arith.constant -1.000000e+30 : f32
    %broadcast_in_dim3A_215 = vector.broadcast %jit3A_214 : f32 to vector<8x128xf32>
    %select_n3A_216 = arith.select %eq3A_213, %broadcast_in_dim3A_215, %select_n3A_194 : vector<8x128xi1>, vector<8x128xf32>
    %reduce_max3A_217 = arith.constant dense<0xFF800000> : vector<8xf32>
    %reduce_max3A_218 = vector.multi_reduction <maximumf>, %select_n3A_216, %reduce_max3A_217 [1] : vector<8x128xf32> to vector<8xf32>
    %broadcast_in_dim3A_219 = vector.shape_cast %reduce_max3A_218 : vector<8xf32> to vector<8x1xf32>
    %eq3A_220 = vector.broadcast %broadcast_in_dim3A_219 : vector<8x1xf32> to vector<8x128xf32>
    %eq3A_221 = arith.cmpf oeq, %select_n3A_216, %eq3A_220 : vector<8x128xf32>
    %jit3A_222 = arith.constant 128 : i32
    %broadcast_in_dim3A_223 = vector.broadcast %jit3A_222 : i32 to vector<8x128xi32>
    %select_n3A_224 = arith.select %eq3A_221, %iota3A, %broadcast_in_dim3A_223 : vector<8x128xi1>, vector<8x128xi32>
    %reduce_min3A_225 = arith.constant dense<2147483647> : vector<8xi32>
    %reduce_min3A_226 = vector.multi_reduction <minsi>, %select_n3A_224, %reduce_min3A_225 [1] : vector<8x128xi32> to vector<8xi32>
    %broadcast_in_dim3A_227 = vector.shape_cast %reduce_min3A_226 : vector<8xi32> to vector<8x1xi32>
    %eq3A_228 = arith.constant 5 : i32
    %eq3A_229 = vector.broadcast %eq3A_228 : i32 to vector<8x16xi32>
    %eq3A_230 = arith.cmpi eq, %iota3A_107, %eq3A_229 : vector<8x16xi32>
    %broadcast_in_dim3A_231 = vector.shape_cast %broadcast_in_dim3A_227 : vector<8x1xi32> to vector<8x1xi32>
    %broadcast_in_dim3A_232 = vector.broadcast %broadcast_in_dim3A_231 : vector<8x1xi32> to vector<8x16xi32>
    %select_n3A_233 = arith.select %eq3A_230, %broadcast_in_dim3A_232, %select_n3A_211 : vector<8x16xi1>, vector<8x16xi32>
    %eq3A_234 = vector.broadcast %broadcast_in_dim3A_227 : vector<8x1xi32> to vector<8x128xi32>
    %eq3A_235 = arith.cmpi eq, %iota3A, %eq3A_234 : vector<8x128xi32>
    %jit3A_236 = arith.constant -1.000000e+30 : f32
    %broadcast_in_dim3A_237 = vector.broadcast %jit3A_236 : f32 to vector<8x128xf32>
    %select_n3A_238 = arith.select %eq3A_235, %broadcast_in_dim3A_237, %select_n3A_216 : vector<8x128xi1>, vector<8x128xf32>
    %reduce_max3A_239 = arith.constant dense<0xFF800000> : vector<8xf32>
    %reduce_max3A_240 = vector.multi_reduction <maximumf>, %select_n3A_238, %reduce_max3A_239 [1] : vector<8x128xf32> to vector<8xf32>
    %broadcast_in_dim3A_241 = vector.shape_cast %reduce_max3A_240 : vector<8xf32> to vector<8x1xf32>
    %eq3A_242 = vector.broadcast %broadcast_in_dim3A_241 : vector<8x1xf32> to vector<8x128xf32>
    %eq3A_243 = arith.cmpf oeq, %select_n3A_238, %eq3A_242 : vector<8x128xf32>
    %jit3A_244 = arith.constant 128 : i32
    %broadcast_in_dim3A_245 = vector.broadcast %jit3A_244 : i32 to vector<8x128xi32>
    %select_n3A_246 = arith.select %eq3A_243, %iota3A, %broadcast_in_dim3A_245 : vector<8x128xi1>, vector<8x128xi32>
    %reduce_min3A_247 = arith.constant dense<2147483647> : vector<8xi32>
    %reduce_min3A_248 = vector.multi_reduction <minsi>, %select_n3A_246, %reduce_min3A_247 [1] : vector<8x128xi32> to vector<8xi32>
    %broadcast_in_dim3A_249 = vector.shape_cast %reduce_min3A_248 : vector<8xi32> to vector<8x1xi32>
    %eq3A_250 = arith.constant 6 : i32
    %eq3A_251 = vector.broadcast %eq3A_250 : i32 to vector<8x16xi32>
    %eq3A_252 = arith.cmpi eq, %iota3A_107, %eq3A_251 : vector<8x16xi32>
    %broadcast_in_dim3A_253 = vector.shape_cast %broadcast_in_dim3A_249 : vector<8x1xi32> to vector<8x1xi32>
    %broadcast_in_dim3A_254 = vector.broadcast %broadcast_in_dim3A_253 : vector<8x1xi32> to vector<8x16xi32>
    %select_n3A_255 = arith.select %eq3A_252, %broadcast_in_dim3A_254, %select_n3A_233 : vector<8x16xi1>, vector<8x16xi32>
    %eq3A_256 = vector.broadcast %broadcast_in_dim3A_249 : vector<8x1xi32> to vector<8x128xi32>
    %eq3A_257 = arith.cmpi eq, %iota3A, %eq3A_256 : vector<8x128xi32>
    %jit3A_258 = arith.constant -1.000000e+30 : f32
    %broadcast_in_dim3A_259 = vector.broadcast %jit3A_258 : f32 to vector<8x128xf32>
    %select_n3A_260 = arith.select %eq3A_257, %broadcast_in_dim3A_259, %select_n3A_238 : vector<8x128xi1>, vector<8x128xf32>
    %reduce_max3A_261 = arith.constant dense<0xFF800000> : vector<8xf32>
    %reduce_max3A_262 = vector.multi_reduction <maximumf>, %select_n3A_260, %reduce_max3A_261 [1] : vector<8x128xf32> to vector<8xf32>
    %broadcast_in_dim3A_263 = vector.shape_cast %reduce_max3A_262 : vector<8xf32> to vector<8x1xf32>
    %eq3A_264 = vector.broadcast %broadcast_in_dim3A_263 : vector<8x1xf32> to vector<8x128xf32>
    %eq3A_265 = arith.cmpf oeq, %select_n3A_260, %eq3A_264 : vector<8x128xf32>
    %jit3A_266 = arith.constant 128 : i32
    %broadcast_in_dim3A_267 = vector.broadcast %jit3A_266 : i32 to vector<8x128xi32>
    %select_n3A_268 = arith.select %eq3A_265, %iota3A, %broadcast_in_dim3A_267 : vector<8x128xi1>, vector<8x128xi32>
    %reduce_min3A_269 = arith.constant dense<2147483647> : vector<8xi32>
    %reduce_min3A_270 = vector.multi_reduction <minsi>, %select_n3A_268, %reduce_min3A_269 [1] : vector<8x128xi32> to vector<8xi32>
    %broadcast_in_dim3A_271 = vector.shape_cast %reduce_min3A_270 : vector<8xi32> to vector<8x1xi32>
    %eq3A_272 = arith.constant 7 : i32
    %eq3A_273 = vector.broadcast %eq3A_272 : i32 to vector<8x16xi32>
    %eq3A_274 = arith.cmpi eq, %iota3A_107, %eq3A_273 : vector<8x16xi32>
    %broadcast_in_dim3A_275 = vector.shape_cast %broadcast_in_dim3A_271 : vector<8x1xi32> to vector<8x1xi32>
    %broadcast_in_dim3A_276 = vector.broadcast %broadcast_in_dim3A_275 : vector<8x1xi32> to vector<8x16xi32>
    %select_n3A_277 = arith.select %eq3A_274, %broadcast_in_dim3A_276, %select_n3A_255 : vector<8x16xi1>, vector<8x16xi32>
    %eq3A_278 = vector.broadcast %broadcast_in_dim3A_271 : vector<8x1xi32> to vector<8x128xi32>
    %eq3A_279 = arith.cmpi eq, %iota3A, %eq3A_278 : vector<8x128xi32>
    %jit3A_280 = arith.constant -1.000000e+30 : f32
    %broadcast_in_dim3A_281 = vector.broadcast %jit3A_280 : f32 to vector<8x128xf32>
    %select_n3A_282 = arith.select %eq3A_279, %broadcast_in_dim3A_281, %select_n3A_260 : vector<8x128xi1>, vector<8x128xf32>
    %reduce_max3A_283 = arith.constant dense<0xFF800000> : vector<8xf32>
    %reduce_max3A_284 = vector.multi_reduction <maximumf>, %select_n3A_282, %reduce_max3A_283 [1] : vector<8x128xf32> to vector<8xf32>
    %broadcast_in_dim3A_285 = vector.shape_cast %reduce_max3A_284 : vector<8xf32> to vector<8x1xf32>
    %eq3A_286 = vector.broadcast %broadcast_in_dim3A_285 : vector<8x1xf32> to vector<8x128xf32>
    %eq3A_287 = arith.cmpf oeq, %select_n3A_282, %eq3A_286 : vector<8x128xf32>
    %jit3A_288 = arith.constant 128 : i32
    %broadcast_in_dim3A_289 = vector.broadcast %jit3A_288 : i32 to vector<8x128xi32>
    %select_n3A_290 = arith.select %eq3A_287, %iota3A, %broadcast_in_dim3A_289 : vector<8x128xi1>, vector<8x128xi32>
    %reduce_min3A_291 = arith.constant dense<2147483647> : vector<8xi32>
    %reduce_min3A_292 = vector.multi_reduction <minsi>, %select_n3A_290, %reduce_min3A_291 [1] : vector<8x128xi32> to vector<8xi32>
    %broadcast_in_dim3A_293 = vector.shape_cast %reduce_min3A_292 : vector<8xi32> to vector<8x1xi32>
    %eq3A_294 = arith.constant 8 : i32
    %eq3A_295 = vector.broadcast %eq3A_294 : i32 to vector<8x16xi32>
    %eq3A_296 = arith.cmpi eq, %iota3A_107, %eq3A_295 : vector<8x16xi32>
    %broadcast_in_dim3A_297 = vector.shape_cast %broadcast_in_dim3A_293 : vector<8x1xi32> to vector<8x1xi32>
    %broadcast_in_dim3A_298 = vector.broadcast %broadcast_in_dim3A_297 : vector<8x1xi32> to vector<8x16xi32>
    %select_n3A_299 = arith.select %eq3A_296, %broadcast_in_dim3A_298, %select_n3A_277 : vector<8x16xi1>, vector<8x16xi32>
    %eq3A_300 = vector.broadcast %broadcast_in_dim3A_293 : vector<8x1xi32> to vector<8x128xi32>
    %eq3A_301 = arith.cmpi eq, %iota3A, %eq3A_300 : vector<8x128xi32>
    %jit3A_302 = arith.constant -1.000000e+30 : f32
    %broadcast_in_dim3A_303 = vector.broadcast %jit3A_302 : f32 to vector<8x128xf32>
    %select_n3A_304 = arith.select %eq3A_301, %broadcast_in_dim3A_303, %select_n3A_282 : vector<8x128xi1>, vector<8x128xf32>
    %reduce_max3A_305 = arith.constant dense<0xFF800000> : vector<8xf32>
    %reduce_max3A_306 = vector.multi_reduction <maximumf>, %select_n3A_304, %reduce_max3A_305 [1] : vector<8x128xf32> to vector<8xf32>
    %broadcast_in_dim3A_307 = vector.shape_cast %reduce_max3A_306 : vector<8xf32> to vector<8x1xf32>
    %eq3A_308 = vector.broadcast %broadcast_in_dim3A_307 : vector<8x1xf32> to vector<8x128xf32>
    %eq3A_309 = arith.cmpf oeq, %select_n3A_304, %eq3A_308 : vector<8x128xf32>
    %jit3A_310 = arith.constant 128 : i32
    %broadcast_in_dim3A_311 = vector.broadcast %jit3A_310 : i32 to vector<8x128xi32>
    %select_n3A_312 = arith.select %eq3A_309, %iota3A, %broadcast_in_dim3A_311 : vector<8x128xi1>, vector<8x128xi32>
    %reduce_min3A_313 = arith.constant dense<2147483647> : vector<8xi32>
    %reduce_min3A_314 = vector.multi_reduction <minsi>, %select_n3A_312, %reduce_min3A_313 [1] : vector<8x128xi32> to vector<8xi32>
    %broadcast_in_dim3A_315 = vector.shape_cast %reduce_min3A_314 : vector<8xi32> to vector<8x1xi32>
    %eq3A_316 = arith.constant 9 : i32
    %eq3A_317 = vector.broadcast %eq3A_316 : i32 to vector<8x16xi32>
    %eq3A_318 = arith.cmpi eq, %iota3A_107, %eq3A_317 : vector<8x16xi32>
    %broadcast_in_dim3A_319 = vector.shape_cast %broadcast_in_dim3A_315 : vector<8x1xi32> to vector<8x1xi32>
    %broadcast_in_dim3A_320 = vector.broadcast %broadcast_in_dim3A_319 : vector<8x1xi32> to vector<8x16xi32>
    %select_n3A_321 = arith.select %eq3A_318, %broadcast_in_dim3A_320, %select_n3A_299 : vector<8x16xi1>, vector<8x16xi32>
    %swap3A_322 = arith.constant 0 : index
    %swap3A_323 = arith.constant 0 : index
    %swap3A_324 = vector.load %arg12[%swap3A_322, %swap3A_323] : memref<8x16xi32, #tpu.memory_space<vmem>>, vector<8x16xi32>
    tpu.vector_store %arg12[%swap3A_322, %swap3A_323], %select_n3A_321 {strides = array<i32>} : memref<8x16xi32, #tpu.memory_space<vmem>>, vector<8x16xi32>,
    return
  }
}

module attributes {stable_mosaic.version = 14 : i64} {
  func.func @_sim_body(%arg0: i32, %arg1: memref<1x256x256xf32, #tpu.memory_space<vmem>>, %arg2: memref<256x256xf32, #tpu.memory_space<vmem>>, %arg3: memref<256x256xf32, #tpu.memory_space<vmem>>, %arg4: memref<512x256xf32, #tpu.memory_space<vmem>>, %arg5: memref<1x256x256xf32, #tpu.memory_space<vmem>>, %arg6: memref<1x512x16xf32, #tpu.memory_space<vmem>>, %arg7: memref<1x512x16xi32, #tpu.memory_space<vmem>>) attributes {dimension_semantics = [#tpu.dimension_semantics<arbitrary>], iteration_bounds = array<i64: 40>, scalar_prefetch = 0 : i64, scratch_operands = 0 : i64, tpu.core_type = #tpu.core_type<tc>, window_params = [{transform_indices = @transform_0, window_bounds = array<i64: 1, 256, 256>}, {pipeline_mode = #tpu.pipeline_mode<synchronous>, transform_indices = @transform_1, window_bounds = array<i64: 256, 256>}, {pipeline_mode = #tpu.pipeline_mode<synchronous>, transform_indices = @transform_2, window_bounds = array<i64: 256, 256>}, {pipeline_mode = #tpu.pipeline_mode<synchronous>, transform_indices = @transform_3, window_bounds = array<i64: 512, 256>}, {transform_indices = @transform_4, window_bounds = array<i64: 1, 256, 256>}, {transform_indices = @transform_5, window_bounds = array<i64: 1, 512, 16>}, {transform_indices = @transform_6, window_bounds = array<i64: 1, 512, 16>}]} {
    %get3A = arith.constant 0 : index
    %get3A_0 = arith.constant 0 : index
    %get3A_1 = arith.constant 0 : index
    %get3A_2 = vector.load %arg1[%get3A, %get3A_0, %get3A_1] : memref<1x256x256xf32, #tpu.memory_space<vmem>>, vector<1x256x256xf32>
    %get3A_3 = vector.shape_cast %get3A_2 : vector<1x256x256xf32> to vector<256x256xf32>
    %get3A_4 = arith.constant 0 : index
    %get3A_5 = arith.constant 0 : index
    %get3A_6 = vector.load %arg2[%get3A_4, %get3A_5] : memref<256x256xf32, #tpu.memory_space<vmem>>, vector<256x256xf32>
    %dot_general3A = arith.constant dense<0.000000e+00> : vector<256x256xf32>
    %dot_general3A_7 = tpu.matmul %get3A_3, %get3A_6, %dot_general3A {dimension_numbers = #tpu.dot_dimension_numbers<[1], [0], [0], [1], [0, 0, 1, 1], [], []>, transpose_lhs_hint = false} : vector<256x256xf32>, vector<256x256xf32>, vector<256x256xf32> -> vector<256x256xf32>
    %swap3A = arith.constant 0 : index
    %swap3A_8 = arith.constant 0 : index
    %swap3A_9 = arith.constant 0 : index
    %swap3A_10 = vector.load %arg5[%swap3A, %swap3A_8, %swap3A_9] : memref<1x256x256xf32, #tpu.memory_space<vmem>>, vector<1x256x256xf32>
    %swap3A_11 = vector.shape_cast %swap3A_10 : vector<1x256x256xf32> to vector<256x256xf32>
    %swap3A_12 = vector.shape_cast %dot_general3A_7 : vector<256x256xf32> to vector<1x256x256xf32>
    tpu.vector_store %arg5[%swap3A, %swap3A_8, %swap3A_9], %swap3A_12 {strides = array<i32>} : memref<1x256x256xf32, #tpu.memory_space<vmem>>, vector<1x256x256xf32>,
    %get3A_13 = arith.constant 0 : index
    %get3A_14 = arith.constant 0 : index
    %get3A_15 = vector.load %arg3[%get3A_13, %get3A_14] : memref<256x256xf32, #tpu.memory_space<vmem>>, vector<256x256xf32>
    %dot_general3A_16 = arith.constant dense<0.000000e+00> : vector<256x256xf32>
    %dot_general3A_17 = tpu.matmul %get3A_15, %get3A_3, %dot_general3A_16 {dimension_numbers = #tpu.dot_dimension_numbers<[1], [1], [0], [0], [0, 0, 1, 0], [], []>, transpose_lhs_hint = false} : vector<256x256xf32>, vector<256x256xf32>, vector<256x256xf32> -> vector<256x256xf32>
    %get3A_18 = arith.constant 0 : index
    %get3A_19 = arith.constant 0 : index
    %get3A_20 = vector.load %arg4[%get3A_18, %get3A_19] : memref<512x256xf32, #tpu.memory_space<vmem>>, vector<512x256xf32>
    %mul3A = arith.mulf %get3A_20, %get3A_20 : vector<512x256xf32>
    %reduce_sum3A = arith.constant dense<0.000000e+00> : vector<512xf32>
    %reduce_sum3A_21 = vector.multi_reduction <add>, %mul3A, %reduce_sum3A [1] : vector<512x256xf32> to vector<512xf32>
    %broadcast_in_dim3A = vector.shape_cast %reduce_sum3A_21 : vector<512xf32> to vector<512x1xf32>
    %sqrt3A = math.sqrt %broadcast_in_dim3A : vector<512x1xf32>
    %mul3A_22 = arith.mulf %dot_general3A_17, %dot_general3A_17 : vector<256x256xf32>
    %reduce_sum3A_23 = arith.constant dense<0.000000e+00> : vector<256xf32>
    %reduce_sum3A_24 = vector.multi_reduction <add>, %mul3A_22, %reduce_sum3A_23 [0] : vector<256x256xf32> to vector<256xf32>
    %broadcast_in_dim3A_25 = vector.shape_cast %reduce_sum3A_24 : vector<256xf32> to vector<1x256xf32>
    %sqrt3A_26 = math.sqrt %broadcast_in_dim3A_25 : vector<1x256xf32>
    %dot_general3A_27 = arith.constant dense<0.000000e+00> : vector<512x256xf32>
    %dot_general3A_28 = tpu.matmul %get3A_20, %dot_general3A_7, %dot_general3A_27 {dimension_numbers = #tpu.dot_dimension_numbers<[1], [1], [0], [0], [0, 0, 1, 0], [], []>, transpose_lhs_hint = false} : vector<512x256xf32>, vector<256x256xf32>, vector<512x256xf32> -> vector<512x256xf32>
    %mul3A_29 = vector.broadcast %sqrt3A : vector<512x1xf32> to vector<512x256xf32>
    %mul3A_30 = vector.broadcast %sqrt3A_26 : vector<1x256xf32> to vector<512x256xf32>
    %mul3A_31 = arith.mulf %mul3A_29, %mul3A_30 : vector<512x256xf32>
    %div3A = arith.divf %dot_general3A_28, %mul3A_31 : vector<512x256xf32>
    %ne3A = arith.cmpf one, %div3A, %div3A : vector<512x256xf32>
    %jit3A = arith.constant 0.000000e+00 : f32
    %broadcast_in_dim3A_32 = vector.broadcast %jit3A : f32 to vector<512x256xf32>
    %select_n3A = arith.select %ne3A, %broadcast_in_dim3A_32, %div3A : vector<512x256xi1>, vector<512x256xf32>
    %iota3A = tpu.iota {dimensions = array<i32: 1>} : vector<512x256xi32>
    %iota3A_33 = tpu.iota {dimensions = array<i32: 1>} : vector<512x16xi32>
    %broadcast_in_dim3A_34 = arith.constant -1.000000e+30 : f32
    %broadcast_in_dim3A_35 = vector.broadcast %broadcast_in_dim3A_34 : f32 to vector<512x16xf32>
    %broadcast_in_dim3A_36 = arith.constant 0 : i32
    %broadcast_in_dim3A_37 = vector.broadcast %broadcast_in_dim3A_36 : i32 to vector<512x16xi32>
    %mul3A_38 = arith.constant 256 : i32
    %mul3A_39 = arith.muli %arg0, %mul3A_38 : i32
    %reduce_max3A = arith.constant dense<0xFF800000> : vector<512xf32>
    %reduce_max3A_40 = vector.multi_reduction <maximumf>, %select_n3A, %reduce_max3A [1] : vector<512x256xf32> to vector<512xf32>
    %broadcast_in_dim3A_41 = vector.shape_cast %reduce_max3A_40 : vector<512xf32> to vector<512x1xf32>
    %eq3A = vector.broadcast %broadcast_in_dim3A_41 : vector<512x1xf32> to vector<512x256xf32>
    %eq3A_42 = arith.cmpf oeq, %select_n3A, %eq3A : vector<512x256xf32>
    %jit3A_43 = arith.constant 256 : i32
    %broadcast_in_dim3A_44 = vector.broadcast %jit3A_43 : i32 to vector<512x256xi32>
    %select_n3A_45 = arith.select %eq3A_42, %iota3A, %broadcast_in_dim3A_44 : vector<512x256xi1>, vector<512x256xi32>
    %reduce_min3A = arith.constant dense<2147483647> : vector<512xi32>
    %reduce_min3A_46 = vector.multi_reduction <minsi>, %select_n3A_45, %reduce_min3A [1] : vector<512x256xi32> to vector<512xi32>
    %broadcast_in_dim3A_47 = vector.shape_cast %reduce_min3A_46 : vector<512xi32> to vector<512x1xi32>
    %eq3A_48 = arith.constant 0 : i32
    %eq3A_49 = vector.broadcast %eq3A_48 : i32 to vector<512x16xi32>
    %eq3A_50 = arith.cmpi eq, %iota3A_33, %eq3A_49 : vector<512x16xi32>
    %broadcast_in_dim3A_51 = vector.shape_cast %broadcast_in_dim3A_41 : vector<512x1xf32> to vector<512x1xf32>
    %broadcast_in_dim3A_52 = vector.broadcast %broadcast_in_dim3A_51 : vector<512x1xf32> to vector<512x16xf32>
    %select_n3A_53 = arith.select %eq3A_50, %broadcast_in_dim3A_52, %broadcast_in_dim3A_35 : vector<512x16xi1>, vector<512x16xf32>
    %eq3A_54 = arith.constant 0 : i32
    %eq3A_55 = vector.broadcast %eq3A_54 : i32 to vector<512x16xi32>
    %eq3A_56 = arith.cmpi eq, %iota3A_33, %eq3A_55 : vector<512x16xi32>
    %add3A = vector.broadcast %mul3A_39 : i32 to vector<512x1xi32>
    %add3A_57 = arith.addi %broadcast_in_dim3A_47, %add3A : vector<512x1xi32>
    %broadcast_in_dim3A_58 = vector.shape_cast %add3A_57 : vector<512x1xi32> to vector<512x1xi32>
    %broadcast_in_dim3A_59 = vector.broadcast %broadcast_in_dim3A_58 : vector<512x1xi32> to vector<512x16xi32>
    %select_n3A_60 = arith.select %eq3A_56, %broadcast_in_dim3A_59, %broadcast_in_dim3A_37 : vector<512x16xi1>, vector<512x16xi32>
    %eq3A_61 = vector.broadcast %broadcast_in_dim3A_47 : vector<512x1xi32> to vector<512x256xi32>
    %eq3A_62 = arith.cmpi eq, %iota3A, %eq3A_61 : vector<512x256xi32>
    %jit3A_63 = arith.constant -1.000000e+30 : f32
    %broadcast_in_dim3A_64 = vector.broadcast %jit3A_63 : f32 to vector<512x256xf32>
    %select_n3A_65 = arith.select %eq3A_62, %broadcast_in_dim3A_64, %select_n3A : vector<512x256xi1>, vector<512x256xf32>
    %reduce_max3A_66 = arith.constant dense<0xFF800000> : vector<512xf32>
    %reduce_max3A_67 = vector.multi_reduction <maximumf>, %select_n3A_65, %reduce_max3A_66 [1] : vector<512x256xf32> to vector<512xf32>
    %broadcast_in_dim3A_68 = vector.shape_cast %reduce_max3A_67 : vector<512xf32> to vector<512x1xf32>
    %eq3A_69 = vector.broadcast %broadcast_in_dim3A_68 : vector<512x1xf32> to vector<512x256xf32>
    %eq3A_70 = arith.cmpf oeq, %select_n3A_65, %eq3A_69 : vector<512x256xf32>
    %jit3A_71 = arith.constant 256 : i32
    %broadcast_in_dim3A_72 = vector.broadcast %jit3A_71 : i32 to vector<512x256xi32>
    %select_n3A_73 = arith.select %eq3A_70, %iota3A, %broadcast_in_dim3A_72 : vector<512x256xi1>, vector<512x256xi32>
    %reduce_min3A_74 = arith.constant dense<2147483647> : vector<512xi32>
    %reduce_min3A_75 = vector.multi_reduction <minsi>, %select_n3A_73, %reduce_min3A_74 [1] : vector<512x256xi32> to vector<512xi32>
    %broadcast_in_dim3A_76 = vector.shape_cast %reduce_min3A_75 : vector<512xi32> to vector<512x1xi32>
    %eq3A_77 = arith.constant 1 : i32
    %eq3A_78 = vector.broadcast %eq3A_77 : i32 to vector<512x16xi32>
    %eq3A_79 = arith.cmpi eq, %iota3A_33, %eq3A_78 : vector<512x16xi32>
    %broadcast_in_dim3A_80 = vector.shape_cast %broadcast_in_dim3A_68 : vector<512x1xf32> to vector<512x1xf32>
    %broadcast_in_dim3A_81 = vector.broadcast %broadcast_in_dim3A_80 : vector<512x1xf32> to vector<512x16xf32>
    %select_n3A_82 = arith.select %eq3A_79, %broadcast_in_dim3A_81, %select_n3A_53 : vector<512x16xi1>, vector<512x16xf32>
    %eq3A_83 = arith.constant 1 : i32
    %eq3A_84 = vector.broadcast %eq3A_83 : i32 to vector<512x16xi32>
    %eq3A_85 = arith.cmpi eq, %iota3A_33, %eq3A_84 : vector<512x16xi32>
    %add3A_86 = vector.broadcast %mul3A_39 : i32 to vector<512x1xi32>
    %add3A_87 = arith.addi %broadcast_in_dim3A_76, %add3A_86 : vector<512x1xi32>
    %broadcast_in_dim3A_88 = vector.shape_cast %add3A_87 : vector<512x1xi32> to vector<512x1xi32>
    %broadcast_in_dim3A_89 = vector.broadcast %broadcast_in_dim3A_88 : vector<512x1xi32> to vector<512x16xi32>
    %select_n3A_90 = arith.select %eq3A_85, %broadcast_in_dim3A_89, %select_n3A_60 : vector<512x16xi1>, vector<512x16xi32>
    %eq3A_91 = vector.broadcast %broadcast_in_dim3A_76 : vector<512x1xi32> to vector<512x256xi32>
    %eq3A_92 = arith.cmpi eq, %iota3A, %eq3A_91 : vector<512x256xi32>
    %jit3A_93 = arith.constant -1.000000e+30 : f32
    %broadcast_in_dim3A_94 = vector.broadcast %jit3A_93 : f32 to vector<512x256xf32>
    %select_n3A_95 = arith.select %eq3A_92, %broadcast_in_dim3A_94, %select_n3A_65 : vector<512x256xi1>, vector<512x256xf32>
    %reduce_max3A_96 = arith.constant dense<0xFF800000> : vector<512xf32>
    %reduce_max3A_97 = vector.multi_reduction <maximumf>, %select_n3A_95, %reduce_max3A_96 [1] : vector<512x256xf32> to vector<512xf32>
    %broadcast_in_dim3A_98 = vector.shape_cast %reduce_max3A_97 : vector<512xf32> to vector<512x1xf32>
    %eq3A_99 = vector.broadcast %broadcast_in_dim3A_98 : vector<512x1xf32> to vector<512x256xf32>
    %eq3A_100 = arith.cmpf oeq, %select_n3A_95, %eq3A_99 : vector<512x256xf32>
    %jit3A_101 = arith.constant 256 : i32
    %broadcast_in_dim3A_102 = vector.broadcast %jit3A_101 : i32 to vector<512x256xi32>
    %select_n3A_103 = arith.select %eq3A_100, %iota3A, %broadcast_in_dim3A_102 : vector<512x256xi1>, vector<512x256xi32>
    %reduce_min3A_104 = arith.constant dense<2147483647> : vector<512xi32>
    %reduce_min3A_105 = vector.multi_reduction <minsi>, %select_n3A_103, %reduce_min3A_104 [1] : vector<512x256xi32> to vector<512xi32>
    %broadcast_in_dim3A_106 = vector.shape_cast %reduce_min3A_105 : vector<512xi32> to vector<512x1xi32>
    %eq3A_107 = arith.constant 2 : i32
    %eq3A_108 = vector.broadcast %eq3A_107 : i32 to vector<512x16xi32>
    %eq3A_109 = arith.cmpi eq, %iota3A_33, %eq3A_108 : vector<512x16xi32>
    %broadcast_in_dim3A_110 = vector.shape_cast %broadcast_in_dim3A_98 : vector<512x1xf32> to vector<512x1xf32>
    %broadcast_in_dim3A_111 = vector.broadcast %broadcast_in_dim3A_110 : vector<512x1xf32> to vector<512x16xf32>
    %select_n3A_112 = arith.select %eq3A_109, %broadcast_in_dim3A_111, %select_n3A_82 : vector<512x16xi1>, vector<512x16xf32>
    %eq3A_113 = arith.constant 2 : i32
    %eq3A_114 = vector.broadcast %eq3A_113 : i32 to vector<512x16xi32>
    %eq3A_115 = arith.cmpi eq, %iota3A_33, %eq3A_114 : vector<512x16xi32>
    %add3A_116 = vector.broadcast %mul3A_39 : i32 to vector<512x1xi32>
    %add3A_117 = arith.addi %broadcast_in_dim3A_106, %add3A_116 : vector<512x1xi32>
    %broadcast_in_dim3A_118 = vector.shape_cast %add3A_117 : vector<512x1xi32> to vector<512x1xi32>
    %broadcast_in_dim3A_119 = vector.broadcast %broadcast_in_dim3A_118 : vector<512x1xi32> to vector<512x16xi32>
    %select_n3A_120 = arith.select %eq3A_115, %broadcast_in_dim3A_119, %select_n3A_90 : vector<512x16xi1>, vector<512x16xi32>
    %eq3A_121 = vector.broadcast %broadcast_in_dim3A_106 : vector<512x1xi32> to vector<512x256xi32>
    %eq3A_122 = arith.cmpi eq, %iota3A, %eq3A_121 : vector<512x256xi32>
    %jit3A_123 = arith.constant -1.000000e+30 : f32
    %broadcast_in_dim3A_124 = vector.broadcast %jit3A_123 : f32 to vector<512x256xf32>
    %select_n3A_125 = arith.select %eq3A_122, %broadcast_in_dim3A_124, %select_n3A_95 : vector<512x256xi1>, vector<512x256xf32>
    %reduce_max3A_126 = arith.constant dense<0xFF800000> : vector<512xf32>
    %reduce_max3A_127 = vector.multi_reduction <maximumf>, %select_n3A_125, %reduce_max3A_126 [1] : vector<512x256xf32> to vector<512xf32>
    %broadcast_in_dim3A_128 = vector.shape_cast %reduce_max3A_127 : vector<512xf32> to vector<512x1xf32>
    %eq3A_129 = vector.broadcast %broadcast_in_dim3A_128 : vector<512x1xf32> to vector<512x256xf32>
    %eq3A_130 = arith.cmpf oeq, %select_n3A_125, %eq3A_129 : vector<512x256xf32>
    %jit3A_131 = arith.constant 256 : i32
    %broadcast_in_dim3A_132 = vector.broadcast %jit3A_131 : i32 to vector<512x256xi32>
    %select_n3A_133 = arith.select %eq3A_130, %iota3A, %broadcast_in_dim3A_132 : vector<512x256xi1>, vector<512x256xi32>
    %reduce_min3A_134 = arith.constant dense<2147483647> : vector<512xi32>
    %reduce_min3A_135 = vector.multi_reduction <minsi>, %select_n3A_133, %reduce_min3A_134 [1] : vector<512x256xi32> to vector<512xi32>
    %broadcast_in_dim3A_136 = vector.shape_cast %reduce_min3A_135 : vector<512xi32> to vector<512x1xi32>
    %eq3A_137 = arith.constant 3 : i32
    %eq3A_138 = vector.broadcast %eq3A_137 : i32 to vector<512x16xi32>
    %eq3A_139 = arith.cmpi eq, %iota3A_33, %eq3A_138 : vector<512x16xi32>
    %broadcast_in_dim3A_140 = vector.shape_cast %broadcast_in_dim3A_128 : vector<512x1xf32> to vector<512x1xf32>
    %broadcast_in_dim3A_141 = vector.broadcast %broadcast_in_dim3A_140 : vector<512x1xf32> to vector<512x16xf32>
    %select_n3A_142 = arith.select %eq3A_139, %broadcast_in_dim3A_141, %select_n3A_112 : vector<512x16xi1>, vector<512x16xf32>
    %eq3A_143 = arith.constant 3 : i32
    %eq3A_144 = vector.broadcast %eq3A_143 : i32 to vector<512x16xi32>
    %eq3A_145 = arith.cmpi eq, %iota3A_33, %eq3A_144 : vector<512x16xi32>
    %add3A_146 = vector.broadcast %mul3A_39 : i32 to vector<512x1xi32>
    %add3A_147 = arith.addi %broadcast_in_dim3A_136, %add3A_146 : vector<512x1xi32>
    %broadcast_in_dim3A_148 = vector.shape_cast %add3A_147 : vector<512x1xi32> to vector<512x1xi32>
    %broadcast_in_dim3A_149 = vector.broadcast %broadcast_in_dim3A_148 : vector<512x1xi32> to vector<512x16xi32>
    %select_n3A_150 = arith.select %eq3A_145, %broadcast_in_dim3A_149, %select_n3A_120 : vector<512x16xi1>, vector<512x16xi32>
    %eq3A_151 = vector.broadcast %broadcast_in_dim3A_136 : vector<512x1xi32> to vector<512x256xi32>
    %eq3A_152 = arith.cmpi eq, %iota3A, %eq3A_151 : vector<512x256xi32>
    %jit3A_153 = arith.constant -1.000000e+30 : f32
    %broadcast_in_dim3A_154 = vector.broadcast %jit3A_153 : f32 to vector<512x256xf32>
    %select_n3A_155 = arith.select %eq3A_152, %broadcast_in_dim3A_154, %select_n3A_125 : vector<512x256xi1>, vector<512x256xf32>
    %reduce_max3A_156 = arith.constant dense<0xFF800000> : vector<512xf32>
    %reduce_max3A_157 = vector.multi_reduction <maximumf>, %select_n3A_155, %reduce_max3A_156 [1] : vector<512x256xf32> to vector<512xf32>
    %broadcast_in_dim3A_158 = vector.shape_cast %reduce_max3A_157 : vector<512xf32> to vector<512x1xf32>
    %eq3A_159 = vector.broadcast %broadcast_in_dim3A_158 : vector<512x1xf32> to vector<512x256xf32>
    %eq3A_160 = arith.cmpf oeq, %select_n3A_155, %eq3A_159 : vector<512x256xf32>
    %jit3A_161 = arith.constant 256 : i32
    %broadcast_in_dim3A_162 = vector.broadcast %jit3A_161 : i32 to vector<512x256xi32>
    %select_n3A_163 = arith.select %eq3A_160, %iota3A, %broadcast_in_dim3A_162 : vector<512x256xi1>, vector<512x256xi32>
    %reduce_min3A_164 = arith.constant dense<2147483647> : vector<512xi32>
    %reduce_min3A_165 = vector.multi_reduction <minsi>, %select_n3A_163, %reduce_min3A_164 [1] : vector<512x256xi32> to vector<512xi32>
    %broadcast_in_dim3A_166 = vector.shape_cast %reduce_min3A_165 : vector<512xi32> to vector<512x1xi32>
    %eq3A_167 = arith.constant 4 : i32
    %eq3A_168 = vector.broadcast %eq3A_167 : i32 to vector<512x16xi32>
    %eq3A_169 = arith.cmpi eq, %iota3A_33, %eq3A_168 : vector<512x16xi32>
    %broadcast_in_dim3A_170 = vector.shape_cast %broadcast_in_dim3A_158 : vector<512x1xf32> to vector<512x1xf32>
    %broadcast_in_dim3A_171 = vector.broadcast %broadcast_in_dim3A_170 : vector<512x1xf32> to vector<512x16xf32>
    %select_n3A_172 = arith.select %eq3A_169, %broadcast_in_dim3A_171, %select_n3A_142 : vector<512x16xi1>, vector<512x16xf32>
    %eq3A_173 = arith.constant 4 : i32
    %eq3A_174 = vector.broadcast %eq3A_173 : i32 to vector<512x16xi32>
    %eq3A_175 = arith.cmpi eq, %iota3A_33, %eq3A_174 : vector<512x16xi32>
    %add3A_176 = vector.broadcast %mul3A_39 : i32 to vector<512x1xi32>
    %add3A_177 = arith.addi %broadcast_in_dim3A_166, %add3A_176 : vector<512x1xi32>
    %broadcast_in_dim3A_178 = vector.shape_cast %add3A_177 : vector<512x1xi32> to vector<512x1xi32>
    %broadcast_in_dim3A_179 = vector.broadcast %broadcast_in_dim3A_178 : vector<512x1xi32> to vector<512x16xi32>
    %select_n3A_180 = arith.select %eq3A_175, %broadcast_in_dim3A_179, %select_n3A_150 : vector<512x16xi1>, vector<512x16xi32>
    %eq3A_181 = vector.broadcast %broadcast_in_dim3A_166 : vector<512x1xi32> to vector<512x256xi32>
    %eq3A_182 = arith.cmpi eq, %iota3A, %eq3A_181 : vector<512x256xi32>
    %jit3A_183 = arith.constant -1.000000e+30 : f32
    %broadcast_in_dim3A_184 = vector.broadcast %jit3A_183 : f32 to vector<512x256xf32>
    %select_n3A_185 = arith.select %eq3A_182, %broadcast_in_dim3A_184, %select_n3A_155 : vector<512x256xi1>, vector<512x256xf32>
    %reduce_max3A_186 = arith.constant dense<0xFF800000> : vector<512xf32>
    %reduce_max3A_187 = vector.multi_reduction <maximumf>, %select_n3A_185, %reduce_max3A_186 [1] : vector<512x256xf32> to vector<512xf32>
    %broadcast_in_dim3A_188 = vector.shape_cast %reduce_max3A_187 : vector<512xf32> to vector<512x1xf32>
    %eq3A_189 = vector.broadcast %broadcast_in_dim3A_188 : vector<512x1xf32> to vector<512x256xf32>
    %eq3A_190 = arith.cmpf oeq, %select_n3A_185, %eq3A_189 : vector<512x256xf32>
    %jit3A_191 = arith.constant 256 : i32
    %broadcast_in_dim3A_192 = vector.broadcast %jit3A_191 : i32 to vector<512x256xi32>
    %select_n3A_193 = arith.select %eq3A_190, %iota3A, %broadcast_in_dim3A_192 : vector<512x256xi1>, vector<512x256xi32>
    %reduce_min3A_194 = arith.constant dense<2147483647> : vector<512xi32>
    %reduce_min3A_195 = vector.multi_reduction <minsi>, %select_n3A_193, %reduce_min3A_194 [1] : vector<512x256xi32> to vector<512xi32>
    %broadcast_in_dim3A_196 = vector.shape_cast %reduce_min3A_195 : vector<512xi32> to vector<512x1xi32>
    %eq3A_197 = arith.constant 5 : i32
    %eq3A_198 = vector.broadcast %eq3A_197 : i32 to vector<512x16xi32>
    %eq3A_199 = arith.cmpi eq, %iota3A_33, %eq3A_198 : vector<512x16xi32>
    %broadcast_in_dim3A_200 = vector.shape_cast %broadcast_in_dim3A_188 : vector<512x1xf32> to vector<512x1xf32>
    %broadcast_in_dim3A_201 = vector.broadcast %broadcast_in_dim3A_200 : vector<512x1xf32> to vector<512x16xf32>
    %select_n3A_202 = arith.select %eq3A_199, %broadcast_in_dim3A_201, %select_n3A_172 : vector<512x16xi1>, vector<512x16xf32>
    %eq3A_203 = arith.constant 5 : i32
    %eq3A_204 = vector.broadcast %eq3A_203 : i32 to vector<512x16xi32>
    %eq3A_205 = arith.cmpi eq, %iota3A_33, %eq3A_204 : vector<512x16xi32>
    %add3A_206 = vector.broadcast %mul3A_39 : i32 to vector<512x1xi32>
    %add3A_207 = arith.addi %broadcast_in_dim3A_196, %add3A_206 : vector<512x1xi32>
    %broadcast_in_dim3A_208 = vector.shape_cast %add3A_207 : vector<512x1xi32> to vector<512x1xi32>
    %broadcast_in_dim3A_209 = vector.broadcast %broadcast_in_dim3A_208 : vector<512x1xi32> to vector<512x16xi32>
    %select_n3A_210 = arith.select %eq3A_205, %broadcast_in_dim3A_209, %select_n3A_180 : vector<512x16xi1>, vector<512x16xi32>
    %eq3A_211 = vector.broadcast %broadcast_in_dim3A_196 : vector<512x1xi32> to vector<512x256xi32>
    %eq3A_212 = arith.cmpi eq, %iota3A, %eq3A_211 : vector<512x256xi32>
    %jit3A_213 = arith.constant -1.000000e+30 : f32
    %broadcast_in_dim3A_214 = vector.broadcast %jit3A_213 : f32 to vector<512x256xf32>
    %select_n3A_215 = arith.select %eq3A_212, %broadcast_in_dim3A_214, %select_n3A_185 : vector<512x256xi1>, vector<512x256xf32>
    %reduce_max3A_216 = arith.constant dense<0xFF800000> : vector<512xf32>
    %reduce_max3A_217 = vector.multi_reduction <maximumf>, %select_n3A_215, %reduce_max3A_216 [1] : vector<512x256xf32> to vector<512xf32>
    %broadcast_in_dim3A_218 = vector.shape_cast %reduce_max3A_217 : vector<512xf32> to vector<512x1xf32>
    %eq3A_219 = vector.broadcast %broadcast_in_dim3A_218 : vector<512x1xf32> to vector<512x256xf32>
    %eq3A_220 = arith.cmpf oeq, %select_n3A_215, %eq3A_219 : vector<512x256xf32>
    %jit3A_221 = arith.constant 256 : i32
    %broadcast_in_dim3A_222 = vector.broadcast %jit3A_221 : i32 to vector<512x256xi32>
    %select_n3A_223 = arith.select %eq3A_220, %iota3A, %broadcast_in_dim3A_222 : vector<512x256xi1>, vector<512x256xi32>
    %reduce_min3A_224 = arith.constant dense<2147483647> : vector<512xi32>
    %reduce_min3A_225 = vector.multi_reduction <minsi>, %select_n3A_223, %reduce_min3A_224 [1] : vector<512x256xi32> to vector<512xi32>
    %broadcast_in_dim3A_226 = vector.shape_cast %reduce_min3A_225 : vector<512xi32> to vector<512x1xi32>
    %eq3A_227 = arith.constant 6 : i32
    %eq3A_228 = vector.broadcast %eq3A_227 : i32 to vector<512x16xi32>
    %eq3A_229 = arith.cmpi eq, %iota3A_33, %eq3A_228 : vector<512x16xi32>
    %broadcast_in_dim3A_230 = vector.shape_cast %broadcast_in_dim3A_218 : vector<512x1xf32> to vector<512x1xf32>
    %broadcast_in_dim3A_231 = vector.broadcast %broadcast_in_dim3A_230 : vector<512x1xf32> to vector<512x16xf32>
    %select_n3A_232 = arith.select %eq3A_229, %broadcast_in_dim3A_231, %select_n3A_202 : vector<512x16xi1>, vector<512x16xf32>
    %eq3A_233 = arith.constant 6 : i32
    %eq3A_234 = vector.broadcast %eq3A_233 : i32 to vector<512x16xi32>
    %eq3A_235 = arith.cmpi eq, %iota3A_33, %eq3A_234 : vector<512x16xi32>
    %add3A_236 = vector.broadcast %mul3A_39 : i32 to vector<512x1xi32>
    %add3A_237 = arith.addi %broadcast_in_dim3A_226, %add3A_236 : vector<512x1xi32>
    %broadcast_in_dim3A_238 = vector.shape_cast %add3A_237 : vector<512x1xi32> to vector<512x1xi32>
    %broadcast_in_dim3A_239 = vector.broadcast %broadcast_in_dim3A_238 : vector<512x1xi32> to vector<512x16xi32>
    %select_n3A_240 = arith.select %eq3A_235, %broadcast_in_dim3A_239, %select_n3A_210 : vector<512x16xi1>, vector<512x16xi32>
    %eq3A_241 = vector.broadcast %broadcast_in_dim3A_226 : vector<512x1xi32> to vector<512x256xi32>
    %eq3A_242 = arith.cmpi eq, %iota3A, %eq3A_241 : vector<512x256xi32>
    %jit3A_243 = arith.constant -1.000000e+30 : f32
    %broadcast_in_dim3A_244 = vector.broadcast %jit3A_243 : f32 to vector<512x256xf32>
    %select_n3A_245 = arith.select %eq3A_242, %broadcast_in_dim3A_244, %select_n3A_215 : vector<512x256xi1>, vector<512x256xf32>
    %reduce_max3A_246 = arith.constant dense<0xFF800000> : vector<512xf32>
    %reduce_max3A_247 = vector.multi_reduction <maximumf>, %select_n3A_245, %reduce_max3A_246 [1] : vector<512x256xf32> to vector<512xf32>
    %broadcast_in_dim3A_248 = vector.shape_cast %reduce_max3A_247 : vector<512xf32> to vector<512x1xf32>
    %eq3A_249 = vector.broadcast %broadcast_in_dim3A_248 : vector<512x1xf32> to vector<512x256xf32>
    %eq3A_250 = arith.cmpf oeq, %select_n3A_245, %eq3A_249 : vector<512x256xf32>
    %jit3A_251 = arith.constant 256 : i32
    %broadcast_in_dim3A_252 = vector.broadcast %jit3A_251 : i32 to vector<512x256xi32>
    %select_n3A_253 = arith.select %eq3A_250, %iota3A, %broadcast_in_dim3A_252 : vector<512x256xi1>, vector<512x256xi32>
    %reduce_min3A_254 = arith.constant dense<2147483647> : vector<512xi32>
    %reduce_min3A_255 = vector.multi_reduction <minsi>, %select_n3A_253, %reduce_min3A_254 [1] : vector<512x256xi32> to vector<512xi32>
    %broadcast_in_dim3A_256 = vector.shape_cast %reduce_min3A_255 : vector<512xi32> to vector<512x1xi32>
    %eq3A_257 = arith.constant 7 : i32
    %eq3A_258 = vector.broadcast %eq3A_257 : i32 to vector<512x16xi32>
    %eq3A_259 = arith.cmpi eq, %iota3A_33, %eq3A_258 : vector<512x16xi32>
    %broadcast_in_dim3A_260 = vector.shape_cast %broadcast_in_dim3A_248 : vector<512x1xf32> to vector<512x1xf32>
    %broadcast_in_dim3A_261 = vector.broadcast %broadcast_in_dim3A_260 : vector<512x1xf32> to vector<512x16xf32>
    %select_n3A_262 = arith.select %eq3A_259, %broadcast_in_dim3A_261, %select_n3A_232 : vector<512x16xi1>, vector<512x16xf32>
    %eq3A_263 = arith.constant 7 : i32
    %eq3A_264 = vector.broadcast %eq3A_263 : i32 to vector<512x16xi32>
    %eq3A_265 = arith.cmpi eq, %iota3A_33, %eq3A_264 : vector<512x16xi32>
    %add3A_266 = vector.broadcast %mul3A_39 : i32 to vector<512x1xi32>
    %add3A_267 = arith.addi %broadcast_in_dim3A_256, %add3A_266 : vector<512x1xi32>
    %broadcast_in_dim3A_268 = vector.shape_cast %add3A_267 : vector<512x1xi32> to vector<512x1xi32>
    %broadcast_in_dim3A_269 = vector.broadcast %broadcast_in_dim3A_268 : vector<512x1xi32> to vector<512x16xi32>
    %select_n3A_270 = arith.select %eq3A_265, %broadcast_in_dim3A_269, %select_n3A_240 : vector<512x16xi1>, vector<512x16xi32>
    %eq3A_271 = vector.broadcast %broadcast_in_dim3A_256 : vector<512x1xi32> to vector<512x256xi32>
    %eq3A_272 = arith.cmpi eq, %iota3A, %eq3A_271 : vector<512x256xi32>
    %jit3A_273 = arith.constant -1.000000e+30 : f32
    %broadcast_in_dim3A_274 = vector.broadcast %jit3A_273 : f32 to vector<512x256xf32>
    %select_n3A_275 = arith.select %eq3A_272, %broadcast_in_dim3A_274, %select_n3A_245 : vector<512x256xi1>, vector<512x256xf32>
    %reduce_max3A_276 = arith.constant dense<0xFF800000> : vector<512xf32>
    %reduce_max3A_277 = vector.multi_reduction <maximumf>, %select_n3A_275, %reduce_max3A_276 [1] : vector<512x256xf32> to vector<512xf32>
    %broadcast_in_dim3A_278 = vector.shape_cast %reduce_max3A_277 : vector<512xf32> to vector<512x1xf32>
    %eq3A_279 = vector.broadcast %broadcast_in_dim3A_278 : vector<512x1xf32> to vector<512x256xf32>
    %eq3A_280 = arith.cmpf oeq, %select_n3A_275, %eq3A_279 : vector<512x256xf32>
    %jit3A_281 = arith.constant 256 : i32
    %broadcast_in_dim3A_282 = vector.broadcast %jit3A_281 : i32 to vector<512x256xi32>
    %select_n3A_283 = arith.select %eq3A_280, %iota3A, %broadcast_in_dim3A_282 : vector<512x256xi1>, vector<512x256xi32>
    %reduce_min3A_284 = arith.constant dense<2147483647> : vector<512xi32>
    %reduce_min3A_285 = vector.multi_reduction <minsi>, %select_n3A_283, %reduce_min3A_284 [1] : vector<512x256xi32> to vector<512xi32>
    %broadcast_in_dim3A_286 = vector.shape_cast %reduce_min3A_285 : vector<512xi32> to vector<512x1xi32>
    %eq3A_287 = arith.constant 8 : i32
    %eq3A_288 = vector.broadcast %eq3A_287 : i32 to vector<512x16xi32>
    %eq3A_289 = arith.cmpi eq, %iota3A_33, %eq3A_288 : vector<512x16xi32>
    %broadcast_in_dim3A_290 = vector.shape_cast %broadcast_in_dim3A_278 : vector<512x1xf32> to vector<512x1xf32>
    %broadcast_in_dim3A_291 = vector.broadcast %broadcast_in_dim3A_290 : vector<512x1xf32> to vector<512x16xf32>
    %select_n3A_292 = arith.select %eq3A_289, %broadcast_in_dim3A_291, %select_n3A_262 : vector<512x16xi1>, vector<512x16xf32>
    %eq3A_293 = arith.constant 8 : i32
    %eq3A_294 = vector.broadcast %eq3A_293 : i32 to vector<512x16xi32>
    %eq3A_295 = arith.cmpi eq, %iota3A_33, %eq3A_294 : vector<512x16xi32>
    %add3A_296 = vector.broadcast %mul3A_39 : i32 to vector<512x1xi32>
    %add3A_297 = arith.addi %broadcast_in_dim3A_286, %add3A_296 : vector<512x1xi32>
    %broadcast_in_dim3A_298 = vector.shape_cast %add3A_297 : vector<512x1xi32> to vector<512x1xi32>
    %broadcast_in_dim3A_299 = vector.broadcast %broadcast_in_dim3A_298 : vector<512x1xi32> to vector<512x16xi32>
    %select_n3A_300 = arith.select %eq3A_295, %broadcast_in_dim3A_299, %select_n3A_270 : vector<512x16xi1>, vector<512x16xi32>
    %eq3A_301 = vector.broadcast %broadcast_in_dim3A_286 : vector<512x1xi32> to vector<512x256xi32>
    %eq3A_302 = arith.cmpi eq, %iota3A, %eq3A_301 : vector<512x256xi32>
    %jit3A_303 = arith.constant -1.000000e+30 : f32
    %broadcast_in_dim3A_304 = vector.broadcast %jit3A_303 : f32 to vector<512x256xf32>
    %select_n3A_305 = arith.select %eq3A_302, %broadcast_in_dim3A_304, %select_n3A_275 : vector<512x256xi1>, vector<512x256xf32>
    %reduce_max3A_306 = arith.constant dense<0xFF800000> : vector<512xf32>
    %reduce_max3A_307 = vector.multi_reduction <maximumf>, %select_n3A_305, %reduce_max3A_306 [1] : vector<512x256xf32> to vector<512xf32>
    %broadcast_in_dim3A_308 = vector.shape_cast %reduce_max3A_307 : vector<512xf32> to vector<512x1xf32>
    %eq3A_309 = vector.broadcast %broadcast_in_dim3A_308 : vector<512x1xf32> to vector<512x256xf32>
    %eq3A_310 = arith.cmpf oeq, %select_n3A_305, %eq3A_309 : vector<512x256xf32>
    %jit3A_311 = arith.constant 256 : i32
    %broadcast_in_dim3A_312 = vector.broadcast %jit3A_311 : i32 to vector<512x256xi32>
    %select_n3A_313 = arith.select %eq3A_310, %iota3A, %broadcast_in_dim3A_312 : vector<512x256xi1>, vector<512x256xi32>
    %reduce_min3A_314 = arith.constant dense<2147483647> : vector<512xi32>
    %reduce_min3A_315 = vector.multi_reduction <minsi>, %select_n3A_313, %reduce_min3A_314 [1] : vector<512x256xi32> to vector<512xi32>
    %broadcast_in_dim3A_316 = vector.shape_cast %reduce_min3A_315 : vector<512xi32> to vector<512x1xi32>
    %eq3A_317 = arith.constant 9 : i32
    %eq3A_318 = vector.broadcast %eq3A_317 : i32 to vector<512x16xi32>
    %eq3A_319 = arith.cmpi eq, %iota3A_33, %eq3A_318 : vector<512x16xi32>
    %broadcast_in_dim3A_320 = vector.shape_cast %broadcast_in_dim3A_308 : vector<512x1xf32> to vector<512x1xf32>
    %broadcast_in_dim3A_321 = vector.broadcast %broadcast_in_dim3A_320 : vector<512x1xf32> to vector<512x16xf32>
    %select_n3A_322 = arith.select %eq3A_319, %broadcast_in_dim3A_321, %select_n3A_292 : vector<512x16xi1>, vector<512x16xf32>
    %eq3A_323 = arith.constant 9 : i32
    %eq3A_324 = vector.broadcast %eq3A_323 : i32 to vector<512x16xi32>
    %eq3A_325 = arith.cmpi eq, %iota3A_33, %eq3A_324 : vector<512x16xi32>
    %add3A_326 = vector.broadcast %mul3A_39 : i32 to vector<512x1xi32>
    %add3A_327 = arith.addi %broadcast_in_dim3A_316, %add3A_326 : vector<512x1xi32>
    %broadcast_in_dim3A_328 = vector.shape_cast %add3A_327 : vector<512x1xi32> to vector<512x1xi32>
    %broadcast_in_dim3A_329 = vector.broadcast %broadcast_in_dim3A_328 : vector<512x1xi32> to vector<512x16xi32>
    %select_n3A_330 = arith.select %eq3A_325, %broadcast_in_dim3A_329, %select_n3A_300 : vector<512x16xi1>, vector<512x16xi32>
    %swap3A_331 = arith.constant 0 : index
    %swap3A_332 = arith.constant 0 : index
    %swap3A_333 = arith.constant 0 : index
    %swap3A_334 = vector.load %arg6[%swap3A_331, %swap3A_332, %swap3A_333] : memref<1x512x16xf32, #tpu.memory_space<vmem>>, vector<1x512x16xf32>
    %swap3A_335 = vector.shape_cast %swap3A_334 : vector<1x512x16xf32> to vector<512x16xf32>
    %swap3A_336 = vector.shape_cast %select_n3A_322 : vector<512x16xf32> to vector<1x512x16xf32>
    tpu.vector_store %arg6[%swap3A_331, %swap3A_332, %swap3A_333], %swap3A_336 {strides = array<i32>} : memref<1x512x16xf32, #tpu.memory_space<vmem>>, vector<1x512x16xf32>,
    %swap3A_337 = arith.constant 0 : index
    %swap3A_338 = arith.constant 0 : index
    %swap3A_339 = arith.constant 0 : index
    %swap3A_340 = vector.load %arg7[%swap3A_337, %swap3A_338, %swap3A_339] : memref<1x512x16xi32, #tpu.memory_space<vmem>>, vector<1x512x16xi32>
    %swap3A_341 = vector.shape_cast %swap3A_340 : vector<1x512x16xi32> to vector<512x16xi32>
    %swap3A_342 = vector.shape_cast %select_n3A_330 : vector<512x16xi32> to vector<1x512x16xi32>
    tpu.vector_store %arg7[%swap3A_337, %swap3A_338, %swap3A_339], %swap3A_342 {strides = array<i32>} : memref<1x512x16xi32, #tpu.memory_space<vmem>>, vector<1x512x16xi32>,
    return
  }
  func.func @transform_0(%arg0: i32) -> (i32, i32, i32) {
    %c0_i32 = arith.constant 0 : i32
    %c0_i32_0 = arith.constant 0 : i32
    %c0_i32_1 = arith.constant 0 : i32
    return %arg0, %c0_i32, %c0_i32_0 : i32, i32, i32
  }
  func.func @transform_1(%arg0: i32) -> (i32, i32) {
    %c0_i32 = arith.constant 0 : i32
    %c0_i32_0 = arith.constant 0 : i32
    %c0_i32_1 = arith.constant 0 : i32
    return %c0_i32, %c0_i32_0 : i32, i32
  }
  func.func @transform_2(%arg0: i32) -> (i32, i32) {
    %c0_i32 = arith.constant 0 : i32
    %c0_i32_0 = arith.constant 0 : i32
    %c0_i32_1 = arith.constant 0 : i32
    return %c0_i32, %c0_i32_0 : i32, i32
  }
  func.func @transform_3(%arg0: i32) -> (i32, i32) {
    %c0_i32 = arith.constant 0 : i32
    %c0_i32_0 = arith.constant 0 : i32
    %c0_i32_1 = arith.constant 0 : i32
    return %c0_i32, %c0_i32_0 : i32, i32
  }
  func.func @transform_4(%arg0: i32) -> (i32, i32, i32) {
    %c0_i32 = arith.constant 0 : i32
    %c0_i32_0 = arith.constant 0 : i32
    %c0_i32_1 = arith.constant 0 : i32
    return %arg0, %c0_i32, %c0_i32_0 : i32, i32, i32
  }
  func.func @transform_5(%arg0: i32) -> (i32, i32, i32) {
    %c0_i32 = arith.constant 0 : i32
    %c0_i32_0 = arith.constant 0 : i32
    %c0_i32_1 = arith.constant 0 : i32
    return %arg0, %c0_i32, %c0_i32_0 : i32, i32, i32
  }
  func.func @transform_6(%arg0: i32) -> (i32, i32, i32) {
    %c0_i32 = arith.constant 0 : i32
    %c0_i32_0 = arith.constant 0 : i32
    %c0_i32_1 = arith.constant 0 : i32
    return %arg0, %c0_i32, %c0_i32_0 : i32, i32, i32
  }
}

module attributes {stable_mosaic.version = 14 : i64} {
  func.func @_agg_body(%arg0: i32, %arg1: memref<512x640xf32, #tpu.memory_space<vmem>>, %arg2: memref<512x640xi32, #tpu.memory_space<vmem>>, %arg3: memref<1x256x256xf32, #tpu.memory_space<vmem>>, %arg4: memref<512x256xf32, #tpu.memory_space<vmem>>, %arg5: memref<256x1xf32, #tpu.memory_space<vmem>>, %arg6: memref<256x1xf32, #tpu.memory_space<vmem>>, %arg7: memref<1x1xf32, #tpu.memory_space<vmem>>, %arg8: memref<512x1xf32, #tpu.memory_space<vmem>>, %arg9: memref<512x16xf32, #tpu.memory_space<vmem>>, %arg10: memref<512x16xi32, #tpu.memory_space<vmem>>, %arg11: memref<512x256xf32, #tpu.memory_space<vmem>>) attributes {dimension_semantics = [#tpu.dimension_semantics<arbitrary>], iteration_bounds = array<i64: 40>, scalar_prefetch = 0 : i64, scratch_operands = 3 : i64, tpu.core_type = #tpu.core_type<tc>, window_params = [{pipeline_mode = #tpu.pipeline_mode<synchronous>, transform_indices = @transform_0, window_bounds = array<i64: 512, 640>}, {pipeline_mode = #tpu.pipeline_mode<synchronous>, transform_indices = @transform_1, window_bounds = array<i64: 512, 640>}, {transform_indices = @transform_2, window_bounds = array<i64: 1, 256, 256>}, {pipeline_mode = #tpu.pipeline_mode<synchronous>, transform_indices = @transform_3, window_bounds = array<i64: 512, 256>}, {pipeline_mode = #tpu.pipeline_mode<synchronous>, transform_indices = @transform_4, window_bounds = array<i64: 256, 1>}, {pipeline_mode = #tpu.pipeline_mode<synchronous>, transform_indices = @transform_5, window_bounds = array<i64: 256, 1>}, {pipeline_mode = #tpu.pipeline_mode<synchronous>, transform_indices = @transform_6, window_bounds = array<i64: 1, 1>}, {pipeline_mode = #tpu.pipeline_mode<synchronous>, transform_indices = @transform_7, window_bounds = array<i64: 512, 1>}]} {
    %eq3A = arith.constant 0 : i32
    %eq3A_0 = arith.cmpi eq, %arg0, %eq3A : i32
    %convert_element_type3A = arith.extui %eq3A_0 : i1 to i32
    %cond3A = arith.constant 0 : i32
    %cond3A_1 = arith.cmpi ne, %convert_element_type3A, %cond3A : i32
    scf.if %cond3A_1 {
      %get3A_223 = arith.constant 0 : index
      %get3A_224 = arith.constant 0 : index
      %get3A_225 = vector.load %arg1[%get3A_223, %get3A_224] : memref<512x640xf32, #tpu.memory_space<vmem>>, vector<512x640xf32>
      %get3A_226 = arith.constant 0 : index
      %get3A_227 = arith.constant 0 : index
      %get3A_228 = vector.load %arg2[%get3A_226, %get3A_227] : memref<512x640xi32, #tpu.memory_space<vmem>>, vector<512x640xi32>
      %iota3A_229 = tpu.iota {dimensions = array<i32: 1>} : vector<512x640xi32>
      %iota3A_230 = tpu.iota {dimensions = array<i32: 1>} : vector<512x16xi32>
      %broadcast_in_dim3A_231 = arith.constant 0.000000e+00 : f32
      %broadcast_in_dim3A_232 = vector.broadcast %broadcast_in_dim3A_231 : f32 to vector<512x16xf32>
      %broadcast_in_dim3A_233 = arith.constant 0 : i32
      %broadcast_in_dim3A_234 = vector.broadcast %broadcast_in_dim3A_233 : i32 to vector<512x16xi32>
      %reduce_max3A = arith.constant dense<0xFF800000> : vector<512xf32>
      %reduce_max3A_235 = vector.multi_reduction <maximumf>, %get3A_225, %reduce_max3A [1] : vector<512x640xf32> to vector<512xf32>
      %broadcast_in_dim3A_236 = vector.shape_cast %reduce_max3A_235 : vector<512xf32> to vector<512x1xf32>
      %eq3A_237 = vector.broadcast %broadcast_in_dim3A_236 : vector<512x1xf32> to vector<512x640xf32>
      %eq3A_238 = arith.cmpf oeq, %get3A_225, %eq3A_237 : vector<512x640xf32>
      %jit3A_239 = arith.constant 640 : i32
      %broadcast_in_dim3A_240 = vector.broadcast %jit3A_239 : i32 to vector<512x640xi32>
      %select_n3A_241 = arith.select %eq3A_238, %iota3A_229, %broadcast_in_dim3A_240 : vector<512x640xi1>, vector<512x640xi32>
      %reduce_min3A = arith.constant dense<2147483647> : vector<512xi32>
      %reduce_min3A_242 = vector.multi_reduction <minsi>, %select_n3A_241, %reduce_min3A [1] : vector<512x640xi32> to vector<512xi32>
      %broadcast_in_dim3A_243 = vector.shape_cast %reduce_min3A_242 : vector<512xi32> to vector<512x1xi32>
      %eq3A_244 = vector.broadcast %broadcast_in_dim3A_243 : vector<512x1xi32> to vector<512x640xi32>
      %eq3A_245 = arith.cmpi eq, %iota3A_229, %eq3A_244 : vector<512x640xi32>
      %jit3A_246 = arith.constant 0 : i32
      %broadcast_in_dim3A_247 = vector.broadcast %jit3A_246 : i32 to vector<512x640xi32>
      %select_n3A_248 = arith.select %eq3A_245, %get3A_228, %broadcast_in_dim3A_247 : vector<512x640xi1>, vector<512x640xi32>
      %reduce_sum3A = arith.constant dense<0> : vector<512xi32>
      %reduce_sum3A_249 = vector.multi_reduction <add>, %select_n3A_248, %reduce_sum3A [1] : vector<512x640xi32> to vector<512xi32>
      %broadcast_in_dim3A_250 = vector.shape_cast %reduce_sum3A_249 : vector<512xi32> to vector<512x1xi32>
      %eq3A_251 = arith.constant 0 : i32
      %eq3A_252 = vector.broadcast %eq3A_251 : i32 to vector<512x16xi32>
      %eq3A_253 = arith.cmpi eq, %iota3A_230, %eq3A_252 : vector<512x16xi32>
      %broadcast_in_dim3A_254 = vector.shape_cast %broadcast_in_dim3A_236 : vector<512x1xf32> to vector<512x1xf32>
      %broadcast_in_dim3A_255 = vector.broadcast %broadcast_in_dim3A_254 : vector<512x1xf32> to vector<512x16xf32>
      %select_n3A_256 = arith.select %eq3A_253, %broadcast_in_dim3A_255, %broadcast_in_dim3A_232 : vector<512x16xi1>, vector<512x16xf32>
      %eq3A_257 = arith.constant 0 : i32
      %eq3A_258 = vector.broadcast %eq3A_257 : i32 to vector<512x16xi32>
      %eq3A_259 = arith.cmpi eq, %iota3A_230, %eq3A_258 : vector<512x16xi32>
      %broadcast_in_dim3A_260 = vector.shape_cast %broadcast_in_dim3A_250 : vector<512x1xi32> to vector<512x1xi32>
      %broadcast_in_dim3A_261 = vector.broadcast %broadcast_in_dim3A_260 : vector<512x1xi32> to vector<512x16xi32>
      %select_n3A_262 = arith.select %eq3A_259, %broadcast_in_dim3A_261, %broadcast_in_dim3A_234 : vector<512x16xi1>, vector<512x16xi32>
      %eq3A_263 = vector.broadcast %broadcast_in_dim3A_243 : vector<512x1xi32> to vector<512x640xi32>
      %eq3A_264 = arith.cmpi eq, %iota3A_229, %eq3A_263 : vector<512x640xi32>
      %jit3A_265 = arith.constant -1.000000e+30 : f32
      %broadcast_in_dim3A_266 = vector.broadcast %jit3A_265 : f32 to vector<512x640xf32>
      %select_n3A_267 = arith.select %eq3A_264, %broadcast_in_dim3A_266, %get3A_225 : vector<512x640xi1>, vector<512x640xf32>
      %reduce_max3A_268 = arith.constant dense<0xFF800000> : vector<512xf32>
      %reduce_max3A_269 = vector.multi_reduction <maximumf>, %select_n3A_267, %reduce_max3A_268 [1] : vector<512x640xf32> to vector<512xf32>
      %broadcast_in_dim3A_270 = vector.shape_cast %reduce_max3A_269 : vector<512xf32> to vector<512x1xf32>
      %eq3A_271 = vector.broadcast %broadcast_in_dim3A_270 : vector<512x1xf32> to vector<512x640xf32>
      %eq3A_272 = arith.cmpf oeq, %select_n3A_267, %eq3A_271 : vector<512x640xf32>
      %jit3A_273 = arith.constant 640 : i32
      %broadcast_in_dim3A_274 = vector.broadcast %jit3A_273 : i32 to vector<512x640xi32>
      %select_n3A_275 = arith.select %eq3A_272, %iota3A_229, %broadcast_in_dim3A_274 : vector<512x640xi1>, vector<512x640xi32>
      %reduce_min3A_276 = arith.constant dense<2147483647> : vector<512xi32>
      %reduce_min3A_277 = vector.multi_reduction <minsi>, %select_n3A_275, %reduce_min3A_276 [1] : vector<512x640xi32> to vector<512xi32>
      %broadcast_in_dim3A_278 = vector.shape_cast %reduce_min3A_277 : vector<512xi32> to vector<512x1xi32>
      %eq3A_279 = vector.broadcast %broadcast_in_dim3A_278 : vector<512x1xi32> to vector<512x640xi32>
      %eq3A_280 = arith.cmpi eq, %iota3A_229, %eq3A_279 : vector<512x640xi32>
      %jit3A_281 = arith.constant 0 : i32
      %broadcast_in_dim3A_282 = vector.broadcast %jit3A_281 : i32 to vector<512x640xi32>
      %select_n3A_283 = arith.select %eq3A_280, %get3A_228, %broadcast_in_dim3A_282 : vector<512x640xi1>, vector<512x640xi32>
      %reduce_sum3A_284 = arith.constant dense<0> : vector<512xi32>
      %reduce_sum3A_285 = vector.multi_reduction <add>, %select_n3A_283, %reduce_sum3A_284 [1] : vector<512x640xi32> to vector<512xi32>
      %broadcast_in_dim3A_286 = vector.shape_cast %reduce_sum3A_285 : vector<512xi32> to vector<512x1xi32>
      %eq3A_287 = arith.constant 1 : i32
      %eq3A_288 = vector.broadcast %eq3A_287 : i32 to vector<512x16xi32>
      %eq3A_289 = arith.cmpi eq, %iota3A_230, %eq3A_288 : vector<512x16xi32>
      %broadcast_in_dim3A_290 = vector.shape_cast %broadcast_in_dim3A_270 : vector<512x1xf32> to vector<512x1xf32>
      %broadcast_in_dim3A_291 = vector.broadcast %broadcast_in_dim3A_290 : vector<512x1xf32> to vector<512x16xf32>
      %select_n3A_292 = arith.select %eq3A_289, %broadcast_in_dim3A_291, %select_n3A_256 : vector<512x16xi1>, vector<512x16xf32>
      %eq3A_293 = arith.constant 1 : i32
      %eq3A_294 = vector.broadcast %eq3A_293 : i32 to vector<512x16xi32>
      %eq3A_295 = arith.cmpi eq, %iota3A_230, %eq3A_294 : vector<512x16xi32>
      %broadcast_in_dim3A_296 = vector.shape_cast %broadcast_in_dim3A_286 : vector<512x1xi32> to vector<512x1xi32>
      %broadcast_in_dim3A_297 = vector.broadcast %broadcast_in_dim3A_296 : vector<512x1xi32> to vector<512x16xi32>
      %select_n3A_298 = arith.select %eq3A_295, %broadcast_in_dim3A_297, %select_n3A_262 : vector<512x16xi1>, vector<512x16xi32>
      %eq3A_299 = vector.broadcast %broadcast_in_dim3A_278 : vector<512x1xi32> to vector<512x640xi32>
      %eq3A_300 = arith.cmpi eq, %iota3A_229, %eq3A_299 : vector<512x640xi32>
      %jit3A_301 = arith.constant -1.000000e+30 : f32
      %broadcast_in_dim3A_302 = vector.broadcast %jit3A_301 : f32 to vector<512x640xf32>
      %select_n3A_303 = arith.select %eq3A_300, %broadcast_in_dim3A_302, %select_n3A_267 : vector<512x640xi1>, vector<512x640xf32>
      %reduce_max3A_304 = arith.constant dense<0xFF800000> : vector<512xf32>
      %reduce_max3A_305 = vector.multi_reduction <maximumf>, %select_n3A_303, %reduce_max3A_304 [1] : vector<512x640xf32> to vector<512xf32>
      %broadcast_in_dim3A_306 = vector.shape_cast %reduce_max3A_305 : vector<512xf32> to vector<512x1xf32>
      %eq3A_307 = vector.broadcast %broadcast_in_dim3A_306 : vector<512x1xf32> to vector<512x640xf32>
      %eq3A_308 = arith.cmpf oeq, %select_n3A_303, %eq3A_307 : vector<512x640xf32>
      %jit3A_309 = arith.constant 640 : i32
      %broadcast_in_dim3A_310 = vector.broadcast %jit3A_309 : i32 to vector<512x640xi32>
      %select_n3A_311 = arith.select %eq3A_308, %iota3A_229, %broadcast_in_dim3A_310 : vector<512x640xi1>, vector<512x640xi32>
      %reduce_min3A_312 = arith.constant dense<2147483647> : vector<512xi32>
      %reduce_min3A_313 = vector.multi_reduction <minsi>, %select_n3A_311, %reduce_min3A_312 [1] : vector<512x640xi32> to vector<512xi32>
      %broadcast_in_dim3A_314 = vector.shape_cast %reduce_min3A_313 : vector<512xi32> to vector<512x1xi32>
      %eq3A_315 = vector.broadcast %broadcast_in_dim3A_314 : vector<512x1xi32> to vector<512x640xi32>
      %eq3A_316 = arith.cmpi eq, %iota3A_229, %eq3A_315 : vector<512x640xi32>
      %jit3A_317 = arith.constant 0 : i32
      %broadcast_in_dim3A_318 = vector.broadcast %jit3A_317 : i32 to vector<512x640xi32>
      %select_n3A_319 = arith.select %eq3A_316, %get3A_228, %broadcast_in_dim3A_318 : vector<512x640xi1>, vector<512x640xi32>
      %reduce_sum3A_320 = arith.constant dense<0> : vector<512xi32>
      %reduce_sum3A_321 = vector.multi_reduction <add>, %select_n3A_319, %reduce_sum3A_320 [1] : vector<512x640xi32> to vector<512xi32>
      %broadcast_in_dim3A_322 = vector.shape_cast %reduce_sum3A_321 : vector<512xi32> to vector<512x1xi32>
      %eq3A_323 = arith.constant 2 : i32
      %eq3A_324 = vector.broadcast %eq3A_323 : i32 to vector<512x16xi32>
      %eq3A_325 = arith.cmpi eq, %iota3A_230, %eq3A_324 : vector<512x16xi32>
      %broadcast_in_dim3A_326 = vector.shape_cast %broadcast_in_dim3A_306 : vector<512x1xf32> to vector<512x1xf32>
      %broadcast_in_dim3A_327 = vector.broadcast %broadcast_in_dim3A_326 : vector<512x1xf32> to vector<512x16xf32>
      %select_n3A_328 = arith.select %eq3A_325, %broadcast_in_dim3A_327, %select_n3A_292 : vector<512x16xi1>, vector<512x16xf32>
      %eq3A_329 = arith.constant 2 : i32
      %eq3A_330 = vector.broadcast %eq3A_329 : i32 to vector<512x16xi32>
      %eq3A_331 = arith.cmpi eq, %iota3A_230, %eq3A_330 : vector<512x16xi32>
      %broadcast_in_dim3A_332 = vector.shape_cast %broadcast_in_dim3A_322 : vector<512x1xi32> to vector<512x1xi32>
      %broadcast_in_dim3A_333 = vector.broadcast %broadcast_in_dim3A_332 : vector<512x1xi32> to vector<512x16xi32>
      %select_n3A_334 = arith.select %eq3A_331, %broadcast_in_dim3A_333, %select_n3A_298 : vector<512x16xi1>, vector<512x16xi32>
      %eq3A_335 = vector.broadcast %broadcast_in_dim3A_314 : vector<512x1xi32> to vector<512x640xi32>
      %eq3A_336 = arith.cmpi eq, %iota3A_229, %eq3A_335 : vector<512x640xi32>
      %jit3A_337 = arith.constant -1.000000e+30 : f32
      %broadcast_in_dim3A_338 = vector.broadcast %jit3A_337 : f32 to vector<512x640xf32>
      %select_n3A_339 = arith.select %eq3A_336, %broadcast_in_dim3A_338, %select_n3A_303 : vector<512x640xi1>, vector<512x640xf32>
      %reduce_max3A_340 = arith.constant dense<0xFF800000> : vector<512xf32>
      %reduce_max3A_341 = vector.multi_reduction <maximumf>, %select_n3A_339, %reduce_max3A_340 [1] : vector<512x640xf32> to vector<512xf32>
      %broadcast_in_dim3A_342 = vector.shape_cast %reduce_max3A_341 : vector<512xf32> to vector<512x1xf32>
      %eq3A_343 = vector.broadcast %broadcast_in_dim3A_342 : vector<512x1xf32> to vector<512x640xf32>
      %eq3A_344 = arith.cmpf oeq, %select_n3A_339, %eq3A_343 : vector<512x640xf32>
      %jit3A_345 = arith.constant 640 : i32
      %broadcast_in_dim3A_346 = vector.broadcast %jit3A_345 : i32 to vector<512x640xi32>
      %select_n3A_347 = arith.select %eq3A_344, %iota3A_229, %broadcast_in_dim3A_346 : vector<512x640xi1>, vector<512x640xi32>
      %reduce_min3A_348 = arith.constant dense<2147483647> : vector<512xi32>
      %reduce_min3A_349 = vector.multi_reduction <minsi>, %select_n3A_347, %reduce_min3A_348 [1] : vector<512x640xi32> to vector<512xi32>
      %broadcast_in_dim3A_350 = vector.shape_cast %reduce_min3A_349 : vector<512xi32> to vector<512x1xi32>
      %eq3A_351 = vector.broadcast %broadcast_in_dim3A_350 : vector<512x1xi32> to vector<512x640xi32>
      %eq3A_352 = arith.cmpi eq, %iota3A_229, %eq3A_351 : vector<512x640xi32>
      %jit3A_353 = arith.constant 0 : i32
      %broadcast_in_dim3A_354 = vector.broadcast %jit3A_353 : i32 to vector<512x640xi32>
      %select_n3A_355 = arith.select %eq3A_352, %get3A_228, %broadcast_in_dim3A_354 : vector<512x640xi1>, vector<512x640xi32>
      %reduce_sum3A_356 = arith.constant dense<0> : vector<512xi32>
      %reduce_sum3A_357 = vector.multi_reduction <add>, %select_n3A_355, %reduce_sum3A_356 [1] : vector<512x640xi32> to vector<512xi32>
      %broadcast_in_dim3A_358 = vector.shape_cast %reduce_sum3A_357 : vector<512xi32> to vector<512x1xi32>
      %eq3A_359 = arith.constant 3 : i32
      %eq3A_360 = vector.broadcast %eq3A_359 : i32 to vector<512x16xi32>
      %eq3A_361 = arith.cmpi eq, %iota3A_230, %eq3A_360 : vector<512x16xi32>
      %broadcast_in_dim3A_362 = vector.shape_cast %broadcast_in_dim3A_342 : vector<512x1xf32> to vector<512x1xf32>
      %broadcast_in_dim3A_363 = vector.broadcast %broadcast_in_dim3A_362 : vector<512x1xf32> to vector<512x16xf32>
      %select_n3A_364 = arith.select %eq3A_361, %broadcast_in_dim3A_363, %select_n3A_328 : vector<512x16xi1>, vector<512x16xf32>
      %eq3A_365 = arith.constant 3 : i32
      %eq3A_366 = vector.broadcast %eq3A_365 : i32 to vector<512x16xi32>
      %eq3A_367 = arith.cmpi eq, %iota3A_230, %eq3A_366 : vector<512x16xi32>
      %broadcast_in_dim3A_368 = vector.shape_cast %broadcast_in_dim3A_358 : vector<512x1xi32> to vector<512x1xi32>
      %broadcast_in_dim3A_369 = vector.broadcast %broadcast_in_dim3A_368 : vector<512x1xi32> to vector<512x16xi32>
      %select_n3A_370 = arith.select %eq3A_367, %broadcast_in_dim3A_369, %select_n3A_334 : vector<512x16xi1>, vector<512x16xi32>
      %eq3A_371 = vector.broadcast %broadcast_in_dim3A_350 : vector<512x1xi32> to vector<512x640xi32>
      %eq3A_372 = arith.cmpi eq, %iota3A_229, %eq3A_371 : vector<512x640xi32>
      %jit3A_373 = arith.constant -1.000000e+30 : f32
      %broadcast_in_dim3A_374 = vector.broadcast %jit3A_373 : f32 to vector<512x640xf32>
      %select_n3A_375 = arith.select %eq3A_372, %broadcast_in_dim3A_374, %select_n3A_339 : vector<512x640xi1>, vector<512x640xf32>
      %reduce_max3A_376 = arith.constant dense<0xFF800000> : vector<512xf32>
      %reduce_max3A_377 = vector.multi_reduction <maximumf>, %select_n3A_375, %reduce_max3A_376 [1] : vector<512x640xf32> to vector<512xf32>
      %broadcast_in_dim3A_378 = vector.shape_cast %reduce_max3A_377 : vector<512xf32> to vector<512x1xf32>
      %eq3A_379 = vector.broadcast %broadcast_in_dim3A_378 : vector<512x1xf32> to vector<512x640xf32>
      %eq3A_380 = arith.cmpf oeq, %select_n3A_375, %eq3A_379 : vector<512x640xf32>
      %jit3A_381 = arith.constant 640 : i32
      %broadcast_in_dim3A_382 = vector.broadcast %jit3A_381 : i32 to vector<512x640xi32>
      %select_n3A_383 = arith.select %eq3A_380, %iota3A_229, %broadcast_in_dim3A_382 : vector<512x640xi1>, vector<512x640xi32>
      %reduce_min3A_384 = arith.constant dense<2147483647> : vector<512xi32>
      %reduce_min3A_385 = vector.multi_reduction <minsi>, %select_n3A_383, %reduce_min3A_384 [1] : vector<512x640xi32> to vector<512xi32>
      %broadcast_in_dim3A_386 = vector.shape_cast %reduce_min3A_385 : vector<512xi32> to vector<512x1xi32>
      %eq3A_387 = vector.broadcast %broadcast_in_dim3A_386 : vector<512x1xi32> to vector<512x640xi32>
      %eq3A_388 = arith.cmpi eq, %iota3A_229, %eq3A_387 : vector<512x640xi32>
      %jit3A_389 = arith.constant 0 : i32
      %broadcast_in_dim3A_390 = vector.broadcast %jit3A_389 : i32 to vector<512x640xi32>
      %select_n3A_391 = arith.select %eq3A_388, %get3A_228, %broadcast_in_dim3A_390 : vector<512x640xi1>, vector<512x640xi32>
      %reduce_sum3A_392 = arith.constant dense<0> : vector<512xi32>
      %reduce_sum3A_393 = vector.multi_reduction <add>, %select_n3A_391, %reduce_sum3A_392 [1] : vector<512x640xi32> to vector<512xi32>
      %broadcast_in_dim3A_394 = vector.shape_cast %reduce_sum3A_393 : vector<512xi32> to vector<512x1xi32>
      %eq3A_395 = arith.constant 4 : i32
      %eq3A_396 = vector.broadcast %eq3A_395 : i32 to vector<512x16xi32>
      %eq3A_397 = arith.cmpi eq, %iota3A_230, %eq3A_396 : vector<512x16xi32>
      %broadcast_in_dim3A_398 = vector.shape_cast %broadcast_in_dim3A_378 : vector<512x1xf32> to vector<512x1xf32>
      %broadcast_in_dim3A_399 = vector.broadcast %broadcast_in_dim3A_398 : vector<512x1xf32> to vector<512x16xf32>
      %select_n3A_400 = arith.select %eq3A_397, %broadcast_in_dim3A_399, %select_n3A_364 : vector<512x16xi1>, vector<512x16xf32>
      %eq3A_401 = arith.constant 4 : i32
      %eq3A_402 = vector.broadcast %eq3A_401 : i32 to vector<512x16xi32>
      %eq3A_403 = arith.cmpi eq, %iota3A_230, %eq3A_402 : vector<512x16xi32>
      %broadcast_in_dim3A_404 = vector.shape_cast %broadcast_in_dim3A_394 : vector<512x1xi32> to vector<512x1xi32>
      %broadcast_in_dim3A_405 = vector.broadcast %broadcast_in_dim3A_404 : vector<512x1xi32> to vector<512x16xi32>
      %select_n3A_406 = arith.select %eq3A_403, %broadcast_in_dim3A_405, %select_n3A_370 : vector<512x16xi1>, vector<512x16xi32>
      %eq3A_407 = vector.broadcast %broadcast_in_dim3A_386 : vector<512x1xi32> to vector<512x640xi32>
      %eq3A_408 = arith.cmpi eq, %iota3A_229, %eq3A_407 : vector<512x640xi32>
      %jit3A_409 = arith.constant -1.000000e+30 : f32
      %broadcast_in_dim3A_410 = vector.broadcast %jit3A_409 : f32 to vector<512x640xf32>
      %select_n3A_411 = arith.select %eq3A_408, %broadcast_in_dim3A_410, %select_n3A_375 : vector<512x640xi1>, vector<512x640xf32>
      %reduce_max3A_412 = arith.constant dense<0xFF800000> : vector<512xf32>
      %reduce_max3A_413 = vector.multi_reduction <maximumf>, %select_n3A_411, %reduce_max3A_412 [1] : vector<512x640xf32> to vector<512xf32>
      %broadcast_in_dim3A_414 = vector.shape_cast %reduce_max3A_413 : vector<512xf32> to vector<512x1xf32>
      %eq3A_415 = vector.broadcast %broadcast_in_dim3A_414 : vector<512x1xf32> to vector<512x640xf32>
      %eq3A_416 = arith.cmpf oeq, %select_n3A_411, %eq3A_415 : vector<512x640xf32>
      %jit3A_417 = arith.constant 640 : i32
      %broadcast_in_dim3A_418 = vector.broadcast %jit3A_417 : i32 to vector<512x640xi32>
      %select_n3A_419 = arith.select %eq3A_416, %iota3A_229, %broadcast_in_dim3A_418 : vector<512x640xi1>, vector<512x640xi32>
      %reduce_min3A_420 = arith.constant dense<2147483647> : vector<512xi32>
      %reduce_min3A_421 = vector.multi_reduction <minsi>, %select_n3A_419, %reduce_min3A_420 [1] : vector<512x640xi32> to vector<512xi32>
      %broadcast_in_dim3A_422 = vector.shape_cast %reduce_min3A_421 : vector<512xi32> to vector<512x1xi32>
      %eq3A_423 = vector.broadcast %broadcast_in_dim3A_422 : vector<512x1xi32> to vector<512x640xi32>
      %eq3A_424 = arith.cmpi eq, %iota3A_229, %eq3A_423 : vector<512x640xi32>
      %jit3A_425 = arith.constant 0 : i32
      %broadcast_in_dim3A_426 = vector.broadcast %jit3A_425 : i32 to vector<512x640xi32>
      %select_n3A_427 = arith.select %eq3A_424, %get3A_228, %broadcast_in_dim3A_426 : vector<512x640xi1>, vector<512x640xi32>
      %reduce_sum3A_428 = arith.constant dense<0> : vector<512xi32>
      %reduce_sum3A_429 = vector.multi_reduction <add>, %select_n3A_427, %reduce_sum3A_428 [1] : vector<512x640xi32> to vector<512xi32>
      %broadcast_in_dim3A_430 = vector.shape_cast %reduce_sum3A_429 : vector<512xi32> to vector<512x1xi32>
      %eq3A_431 = arith.constant 5 : i32
      %eq3A_432 = vector.broadcast %eq3A_431 : i32 to vector<512x16xi32>
      %eq3A_433 = arith.cmpi eq, %iota3A_230, %eq3A_432 : vector<512x16xi32>
      %broadcast_in_dim3A_434 = vector.shape_cast %broadcast_in_dim3A_414 : vector<512x1xf32> to vector<512x1xf32>
      %broadcast_in_dim3A_435 = vector.broadcast %broadcast_in_dim3A_434 : vector<512x1xf32> to vector<512x16xf32>
      %select_n3A_436 = arith.select %eq3A_433, %broadcast_in_dim3A_435, %select_n3A_400 : vector<512x16xi1>, vector<512x16xf32>
      %eq3A_437 = arith.constant 5 : i32
      %eq3A_438 = vector.broadcast %eq3A_437 : i32 to vector<512x16xi32>
      %eq3A_439 = arith.cmpi eq, %iota3A_230, %eq3A_438 : vector<512x16xi32>
      %broadcast_in_dim3A_440 = vector.shape_cast %broadcast_in_dim3A_430 : vector<512x1xi32> to vector<512x1xi32>
      %broadcast_in_dim3A_441 = vector.broadcast %broadcast_in_dim3A_440 : vector<512x1xi32> to vector<512x16xi32>
      %select_n3A_442 = arith.select %eq3A_439, %broadcast_in_dim3A_441, %select_n3A_406 : vector<512x16xi1>, vector<512x16xi32>
      %eq3A_443 = vector.broadcast %broadcast_in_dim3A_422 : vector<512x1xi32> to vector<512x640xi32>
      %eq3A_444 = arith.cmpi eq, %iota3A_229, %eq3A_443 : vector<512x640xi32>
      %jit3A_445 = arith.constant -1.000000e+30 : f32
      %broadcast_in_dim3A_446 = vector.broadcast %jit3A_445 : f32 to vector<512x640xf32>
      %select_n3A_447 = arith.select %eq3A_444, %broadcast_in_dim3A_446, %select_n3A_411 : vector<512x640xi1>, vector<512x640xf32>
      %reduce_max3A_448 = arith.constant dense<0xFF800000> : vector<512xf32>
      %reduce_max3A_449 = vector.multi_reduction <maximumf>, %select_n3A_447, %reduce_max3A_448 [1] : vector<512x640xf32> to vector<512xf32>
      %broadcast_in_dim3A_450 = vector.shape_cast %reduce_max3A_449 : vector<512xf32> to vector<512x1xf32>
      %eq3A_451 = vector.broadcast %broadcast_in_dim3A_450 : vector<512x1xf32> to vector<512x640xf32>
      %eq3A_452 = arith.cmpf oeq, %select_n3A_447, %eq3A_451 : vector<512x640xf32>
      %jit3A_453 = arith.constant 640 : i32
      %broadcast_in_dim3A_454 = vector.broadcast %jit3A_453 : i32 to vector<512x640xi32>
      %select_n3A_455 = arith.select %eq3A_452, %iota3A_229, %broadcast_in_dim3A_454 : vector<512x640xi1>, vector<512x640xi32>
      %reduce_min3A_456 = arith.constant dense<2147483647> : vector<512xi32>
      %reduce_min3A_457 = vector.multi_reduction <minsi>, %select_n3A_455, %reduce_min3A_456 [1] : vector<512x640xi32> to vector<512xi32>
      %broadcast_in_dim3A_458 = vector.shape_cast %reduce_min3A_457 : vector<512xi32> to vector<512x1xi32>
      %eq3A_459 = vector.broadcast %broadcast_in_dim3A_458 : vector<512x1xi32> to vector<512x640xi32>
      %eq3A_460 = arith.cmpi eq, %iota3A_229, %eq3A_459 : vector<512x640xi32>
      %jit3A_461 = arith.constant 0 : i32
      %broadcast_in_dim3A_462 = vector.broadcast %jit3A_461 : i32 to vector<512x640xi32>
      %select_n3A_463 = arith.select %eq3A_460, %get3A_228, %broadcast_in_dim3A_462 : vector<512x640xi1>, vector<512x640xi32>
      %reduce_sum3A_464 = arith.constant dense<0> : vector<512xi32>
      %reduce_sum3A_465 = vector.multi_reduction <add>, %select_n3A_463, %reduce_sum3A_464 [1] : vector<512x640xi32> to vector<512xi32>
      %broadcast_in_dim3A_466 = vector.shape_cast %reduce_sum3A_465 : vector<512xi32> to vector<512x1xi32>
      %eq3A_467 = arith.constant 6 : i32
      %eq3A_468 = vector.broadcast %eq3A_467 : i32 to vector<512x16xi32>
      %eq3A_469 = arith.cmpi eq, %iota3A_230, %eq3A_468 : vector<512x16xi32>
      %broadcast_in_dim3A_470 = vector.shape_cast %broadcast_in_dim3A_450 : vector<512x1xf32> to vector<512x1xf32>
      %broadcast_in_dim3A_471 = vector.broadcast %broadcast_in_dim3A_470 : vector<512x1xf32> to vector<512x16xf32>
      %select_n3A_472 = arith.select %eq3A_469, %broadcast_in_dim3A_471, %select_n3A_436 : vector<512x16xi1>, vector<512x16xf32>
      %eq3A_473 = arith.constant 6 : i32
      %eq3A_474 = vector.broadcast %eq3A_473 : i32 to vector<512x16xi32>
      %eq3A_475 = arith.cmpi eq, %iota3A_230, %eq3A_474 : vector<512x16xi32>
      %broadcast_in_dim3A_476 = vector.shape_cast %broadcast_in_dim3A_466 : vector<512x1xi32> to vector<512x1xi32>
      %broadcast_in_dim3A_477 = vector.broadcast %broadcast_in_dim3A_476 : vector<512x1xi32> to vector<512x16xi32>
      %select_n3A_478 = arith.select %eq3A_475, %broadcast_in_dim3A_477, %select_n3A_442 : vector<512x16xi1>, vector<512x16xi32>
      %eq3A_479 = vector.broadcast %broadcast_in_dim3A_458 : vector<512x1xi32> to vector<512x640xi32>
      %eq3A_480 = arith.cmpi eq, %iota3A_229, %eq3A_479 : vector<512x640xi32>
      %jit3A_481 = arith.constant -1.000000e+30 : f32
      %broadcast_in_dim3A_482 = vector.broadcast %jit3A_481 : f32 to vector<512x640xf32>
      %select_n3A_483 = arith.select %eq3A_480, %broadcast_in_dim3A_482, %select_n3A_447 : vector<512x640xi1>, vector<512x640xf32>
      %reduce_max3A_484 = arith.constant dense<0xFF800000> : vector<512xf32>
      %reduce_max3A_485 = vector.multi_reduction <maximumf>, %select_n3A_483, %reduce_max3A_484 [1] : vector<512x640xf32> to vector<512xf32>
      %broadcast_in_dim3A_486 = vector.shape_cast %reduce_max3A_485 : vector<512xf32> to vector<512x1xf32>
      %eq3A_487 = vector.broadcast %broadcast_in_dim3A_486 : vector<512x1xf32> to vector<512x640xf32>
      %eq3A_488 = arith.cmpf oeq, %select_n3A_483, %eq3A_487 : vector<512x640xf32>
      %jit3A_489 = arith.constant 640 : i32
      %broadcast_in_dim3A_490 = vector.broadcast %jit3A_489 : i32 to vector<512x640xi32>
      %select_n3A_491 = arith.select %eq3A_488, %iota3A_229, %broadcast_in_dim3A_490 : vector<512x640xi1>, vector<512x640xi32>
      %reduce_min3A_492 = arith.constant dense<2147483647> : vector<512xi32>
      %reduce_min3A_493 = vector.multi_reduction <minsi>, %select_n3A_491, %reduce_min3A_492 [1] : vector<512x640xi32> to vector<512xi32>
      %broadcast_in_dim3A_494 = vector.shape_cast %reduce_min3A_493 : vector<512xi32> to vector<512x1xi32>
      %eq3A_495 = vector.broadcast %broadcast_in_dim3A_494 : vector<512x1xi32> to vector<512x640xi32>
      %eq3A_496 = arith.cmpi eq, %iota3A_229, %eq3A_495 : vector<512x640xi32>
      %jit3A_497 = arith.constant 0 : i32
      %broadcast_in_dim3A_498 = vector.broadcast %jit3A_497 : i32 to vector<512x640xi32>
      %select_n3A_499 = arith.select %eq3A_496, %get3A_228, %broadcast_in_dim3A_498 : vector<512x640xi1>, vector<512x640xi32>
      %reduce_sum3A_500 = arith.constant dense<0> : vector<512xi32>
      %reduce_sum3A_501 = vector.multi_reduction <add>, %select_n3A_499, %reduce_sum3A_500 [1] : vector<512x640xi32> to vector<512xi32>
      %broadcast_in_dim3A_502 = vector.shape_cast %reduce_sum3A_501 : vector<512xi32> to vector<512x1xi32>
      %eq3A_503 = arith.constant 7 : i32
      %eq3A_504 = vector.broadcast %eq3A_503 : i32 to vector<512x16xi32>
      %eq3A_505 = arith.cmpi eq, %iota3A_230, %eq3A_504 : vector<512x16xi32>
      %broadcast_in_dim3A_506 = vector.shape_cast %broadcast_in_dim3A_486 : vector<512x1xf32> to vector<512x1xf32>
      %broadcast_in_dim3A_507 = vector.broadcast %broadcast_in_dim3A_506 : vector<512x1xf32> to vector<512x16xf32>
      %select_n3A_508 = arith.select %eq3A_505, %broadcast_in_dim3A_507, %select_n3A_472 : vector<512x16xi1>, vector<512x16xf32>
      %eq3A_509 = arith.constant 7 : i32
      %eq3A_510 = vector.broadcast %eq3A_509 : i32 to vector<512x16xi32>
      %eq3A_511 = arith.cmpi eq, %iota3A_230, %eq3A_510 : vector<512x16xi32>
      %broadcast_in_dim3A_512 = vector.shape_cast %broadcast_in_dim3A_502 : vector<512x1xi32> to vector<512x1xi32>
      %broadcast_in_dim3A_513 = vector.broadcast %broadcast_in_dim3A_512 : vector<512x1xi32> to vector<512x16xi32>
      %select_n3A_514 = arith.select %eq3A_511, %broadcast_in_dim3A_513, %select_n3A_478 : vector<512x16xi1>, vector<512x16xi32>
      %eq3A_515 = vector.broadcast %broadcast_in_dim3A_494 : vector<512x1xi32> to vector<512x640xi32>
      %eq3A_516 = arith.cmpi eq, %iota3A_229, %eq3A_515 : vector<512x640xi32>
      %jit3A_517 = arith.constant -1.000000e+30 : f32
      %broadcast_in_dim3A_518 = vector.broadcast %jit3A_517 : f32 to vector<512x640xf32>
      %select_n3A_519 = arith.select %eq3A_516, %broadcast_in_dim3A_518, %select_n3A_483 : vector<512x640xi1>, vector<512x640xf32>
      %reduce_max3A_520 = arith.constant dense<0xFF800000> : vector<512xf32>
      %reduce_max3A_521 = vector.multi_reduction <maximumf>, %select_n3A_519, %reduce_max3A_520 [1] : vector<512x640xf32> to vector<512xf32>
      %broadcast_in_dim3A_522 = vector.shape_cast %reduce_max3A_521 : vector<512xf32> to vector<512x1xf32>
      %eq3A_523 = vector.broadcast %broadcast_in_dim3A_522 : vector<512x1xf32> to vector<512x640xf32>
      %eq3A_524 = arith.cmpf oeq, %select_n3A_519, %eq3A_523 : vector<512x640xf32>
      %jit3A_525 = arith.constant 640 : i32
      %broadcast_in_dim3A_526 = vector.broadcast %jit3A_525 : i32 to vector<512x640xi32>
      %select_n3A_527 = arith.select %eq3A_524, %iota3A_229, %broadcast_in_dim3A_526 : vector<512x640xi1>, vector<512x640xi32>
      %reduce_min3A_528 = arith.constant dense<2147483647> : vector<512xi32>
      %reduce_min3A_529 = vector.multi_reduction <minsi>, %select_n3A_527, %reduce_min3A_528 [1] : vector<512x640xi32> to vector<512xi32>
      %broadcast_in_dim3A_530 = vector.shape_cast %reduce_min3A_529 : vector<512xi32> to vector<512x1xi32>
      %eq3A_531 = vector.broadcast %broadcast_in_dim3A_530 : vector<512x1xi32> to vector<512x640xi32>
      %eq3A_532 = arith.cmpi eq, %iota3A_229, %eq3A_531 : vector<512x640xi32>
      %jit3A_533 = arith.constant 0 : i32
      %broadcast_in_dim3A_534 = vector.broadcast %jit3A_533 : i32 to vector<512x640xi32>
      %select_n3A_535 = arith.select %eq3A_532, %get3A_228, %broadcast_in_dim3A_534 : vector<512x640xi1>, vector<512x640xi32>
      %reduce_sum3A_536 = arith.constant dense<0> : vector<512xi32>
      %reduce_sum3A_537 = vector.multi_reduction <add>, %select_n3A_535, %reduce_sum3A_536 [1] : vector<512x640xi32> to vector<512xi32>
      %broadcast_in_dim3A_538 = vector.shape_cast %reduce_sum3A_537 : vector<512xi32> to vector<512x1xi32>
      %eq3A_539 = arith.constant 8 : i32
      %eq3A_540 = vector.broadcast %eq3A_539 : i32 to vector<512x16xi32>
      %eq3A_541 = arith.cmpi eq, %iota3A_230, %eq3A_540 : vector<512x16xi32>
      %broadcast_in_dim3A_542 = vector.shape_cast %broadcast_in_dim3A_522 : vector<512x1xf32> to vector<512x1xf32>
      %broadcast_in_dim3A_543 = vector.broadcast %broadcast_in_dim3A_542 : vector<512x1xf32> to vector<512x16xf32>
      %select_n3A_544 = arith.select %eq3A_541, %broadcast_in_dim3A_543, %select_n3A_508 : vector<512x16xi1>, vector<512x16xf32>
      %eq3A_545 = arith.constant 8 : i32
      %eq3A_546 = vector.broadcast %eq3A_545 : i32 to vector<512x16xi32>
      %eq3A_547 = arith.cmpi eq, %iota3A_230, %eq3A_546 : vector<512x16xi32>
      %broadcast_in_dim3A_548 = vector.shape_cast %broadcast_in_dim3A_538 : vector<512x1xi32> to vector<512x1xi32>
      %broadcast_in_dim3A_549 = vector.broadcast %broadcast_in_dim3A_548 : vector<512x1xi32> to vector<512x16xi32>
      %select_n3A_550 = arith.select %eq3A_547, %broadcast_in_dim3A_549, %select_n3A_514 : vector<512x16xi1>, vector<512x16xi32>
      %eq3A_551 = vector.broadcast %broadcast_in_dim3A_530 : vector<512x1xi32> to vector<512x640xi32>
      %eq3A_552 = arith.cmpi eq, %iota3A_229, %eq3A_551 : vector<512x640xi32>
      %jit3A_553 = arith.constant -1.000000e+30 : f32
      %broadcast_in_dim3A_554 = vector.broadcast %jit3A_553 : f32 to vector<512x640xf32>
      %select_n3A_555 = arith.select %eq3A_552, %broadcast_in_dim3A_554, %select_n3A_519 : vector<512x640xi1>, vector<512x640xf32>
      %reduce_max3A_556 = arith.constant dense<0xFF800000> : vector<512xf32>
      %reduce_max3A_557 = vector.multi_reduction <maximumf>, %select_n3A_555, %reduce_max3A_556 [1] : vector<512x640xf32> to vector<512xf32>
      %broadcast_in_dim3A_558 = vector.shape_cast %reduce_max3A_557 : vector<512xf32> to vector<512x1xf32>
      %eq3A_559 = vector.broadcast %broadcast_in_dim3A_558 : vector<512x1xf32> to vector<512x640xf32>
      %eq3A_560 = arith.cmpf oeq, %select_n3A_555, %eq3A_559 : vector<512x640xf32>
      %jit3A_561 = arith.constant 640 : i32
      %broadcast_in_dim3A_562 = vector.broadcast %jit3A_561 : i32 to vector<512x640xi32>
      %select_n3A_563 = arith.select %eq3A_560, %iota3A_229, %broadcast_in_dim3A_562 : vector<512x640xi1>, vector<512x640xi32>
      %reduce_min3A_564 = arith.constant dense<2147483647> : vector<512xi32>
      %reduce_min3A_565 = vector.multi_reduction <minsi>, %select_n3A_563, %reduce_min3A_564 [1] : vector<512x640xi32> to vector<512xi32>
      %broadcast_in_dim3A_566 = vector.shape_cast %reduce_min3A_565 : vector<512xi32> to vector<512x1xi32>
      %eq3A_567 = vector.broadcast %broadcast_in_dim3A_566 : vector<512x1xi32> to vector<512x640xi32>
      %eq3A_568 = arith.cmpi eq, %iota3A_229, %eq3A_567 : vector<512x640xi32>
      %jit3A_569 = arith.constant 0 : i32
      %broadcast_in_dim3A_570 = vector.broadcast %jit3A_569 : i32 to vector<512x640xi32>
      %select_n3A_571 = arith.select %eq3A_568, %get3A_228, %broadcast_in_dim3A_570 : vector<512x640xi1>, vector<512x640xi32>
      %reduce_sum3A_572 = arith.constant dense<0> : vector<512xi32>
      %reduce_sum3A_573 = vector.multi_reduction <add>, %select_n3A_571, %reduce_sum3A_572 [1] : vector<512x640xi32> to vector<512xi32>
      %broadcast_in_dim3A_574 = vector.shape_cast %reduce_sum3A_573 : vector<512xi32> to vector<512x1xi32>
      %eq3A_575 = arith.constant 9 : i32
      %eq3A_576 = vector.broadcast %eq3A_575 : i32 to vector<512x16xi32>
      %eq3A_577 = arith.cmpi eq, %iota3A_230, %eq3A_576 : vector<512x16xi32>
      %broadcast_in_dim3A_578 = vector.shape_cast %broadcast_in_dim3A_558 : vector<512x1xf32> to vector<512x1xf32>
      %broadcast_in_dim3A_579 = vector.broadcast %broadcast_in_dim3A_578 : vector<512x1xf32> to vector<512x16xf32>
      %select_n3A_580 = arith.select %eq3A_577, %broadcast_in_dim3A_579, %select_n3A_544 : vector<512x16xi1>, vector<512x16xf32>
      %eq3A_581 = arith.constant 9 : i32
      %eq3A_582 = vector.broadcast %eq3A_581 : i32 to vector<512x16xi32>
      %eq3A_583 = arith.cmpi eq, %iota3A_230, %eq3A_582 : vector<512x16xi32>
      %broadcast_in_dim3A_584 = vector.shape_cast %broadcast_in_dim3A_574 : vector<512x1xi32> to vector<512x1xi32>
      %broadcast_in_dim3A_585 = vector.broadcast %broadcast_in_dim3A_584 : vector<512x1xi32> to vector<512x16xi32>
      %select_n3A_586 = arith.select %eq3A_583, %broadcast_in_dim3A_585, %select_n3A_550 : vector<512x16xi1>, vector<512x16xi32>
      %swap3A_587 = arith.constant 0 : index
      %swap3A_588 = arith.constant 0 : index
      %swap3A_589 = vector.load %arg9[%swap3A_587, %swap3A_588] : memref<512x16xf32, #tpu.memory_space<vmem>>, vector<512x16xf32>
      tpu.vector_store %arg9[%swap3A_587, %swap3A_588], %select_n3A_580 {strides = array<i32>} : memref<512x16xf32, #tpu.memory_space<vmem>>, vector<512x16xf32>,
      %swap3A_590 = arith.constant 0 : index
      %swap3A_591 = arith.constant 0 : index
      %swap3A_592 = vector.load %arg10[%swap3A_590, %swap3A_591] : memref<512x16xi32, #tpu.memory_space<vmem>>, vector<512x16xi32>
      tpu.vector_store %arg10[%swap3A_590, %swap3A_591], %select_n3A_586 {strides = array<i32>} : memref<512x16xi32, #tpu.memory_space<vmem>>, vector<512x16xi32>,
      %broadcast_in_dim3A_593 = arith.constant 0.000000e+00 : f32
      %broadcast_in_dim3A_594 = vector.broadcast %broadcast_in_dim3A_593 : f32 to vector<512x256xf32>
      %swap3A_595 = arith.constant 0 : index
      %swap3A_596 = arith.constant 0 : index
      %swap3A_597 = vector.load %arg11[%swap3A_595, %swap3A_596] : memref<512x256xf32, #tpu.memory_space<vmem>>, vector<512x256xf32>
      tpu.vector_store %arg11[%swap3A_595, %swap3A_596], %broadcast_in_dim3A_594 {strides = array<i32>} : memref<512x256xf32, #tpu.memory_space<vmem>>, vector<512x256xf32>,
    } else {
    }
    %get3A = arith.constant 0 : index
    %get3A_2 = arith.constant 0 : index
    %get3A_3 = arith.constant 0 : index
    %get3A_4 = vector.load %arg3[%get3A, %get3A_2, %get3A_3] : memref<1x256x256xf32, #tpu.memory_space<vmem>>, vector<1x256x256xf32>
    %get3A_5 = vector.shape_cast %get3A_4 : vector<1x256x256xf32> to vector<256x256xf32>
    %iota3A = tpu.iota {dimensions = array<i32: 1>} : vector<512x256xi32>
    %broadcast_in_dim3A = arith.constant 0.000000e+00 : f32
    %broadcast_in_dim3A_6 = vector.broadcast %broadcast_in_dim3A : f32 to vector<512x256xf32>
    %get3A_7 = arith.constant 0 : index
    %get3A_8 = arith.constant 0 : index
    %get3A_9 = vector.load %arg10[%get3A_7, %get3A_8] : memref<512x16xi32, #tpu.memory_space<vmem>>, vector<512x1xi32>
    %mul3A = arith.constant 256 : i32
    %mul3A_10 = arith.muli %arg0, %mul3A : i32
    %sub3A = vector.broadcast %mul3A_10 : i32 to vector<512x1xi32>
    %sub3A_11 = arith.subi %get3A_9, %sub3A : vector<512x1xi32>
    %get3A_12 = arith.constant 0 : index
    %get3A_13 = arith.constant 0 : index
    %get3A_14 = vector.load %arg9[%get3A_12, %get3A_13] : memref<512x16xf32, #tpu.memory_space<vmem>>, vector<512x1xf32>
    %div3A = arith.constant 1.000000e+01 : f32
    %div3A_15 = vector.broadcast %div3A : f32 to vector<512x1xf32>
    %div3A_16 = arith.divf %get3A_14, %div3A_15 : vector<512x1xf32>
    %eq3A_17 = vector.broadcast %sub3A_11 : vector<512x1xi32> to vector<512x256xi32>
    %eq3A_18 = arith.cmpi eq, %iota3A, %eq3A_17 : vector<512x256xi32>
    %jit3A = arith.constant 0.000000e+00 : f32
    %broadcast_in_dim3A_19 = vector.shape_cast %div3A_16 : vector<512x1xf32> to vector<512x1xf32>
    %broadcast_in_dim3A_20 = vector.broadcast %broadcast_in_dim3A_19 : vector<512x1xf32> to vector<512x256xf32>
    %broadcast_in_dim3A_21 = vector.broadcast %jit3A : f32 to vector<512x256xf32>
    %select_n3A = arith.select %eq3A_18, %broadcast_in_dim3A_20, %broadcast_in_dim3A_21 : vector<512x256xi1>, vector<512x256xf32>
    %add3A = arith.addf %broadcast_in_dim3A_6, %select_n3A : vector<512x256xf32>
    %get3A_22 = arith.constant 0 : index
    %get3A_23 = arith.constant 1 : index
    %get3A_24 = vector.load %arg10[%get3A_22, %get3A_23] : memref<512x16xi32, #tpu.memory_space<vmem>>, vector<512x1xi32>
    %mul3A_25 = arith.constant 256 : i32
    %mul3A_26 = arith.muli %arg0, %mul3A_25 : i32
    %sub3A_27 = vector.broadcast %mul3A_26 : i32 to vector<512x1xi32>
    %sub3A_28 = arith.subi %get3A_24, %sub3A_27 : vector<512x1xi32>
    %get3A_29 = arith.constant 0 : index
    %get3A_30 = arith.constant 1 : index
    %get3A_31 = vector.load %arg9[%get3A_29, %get3A_30] : memref<512x16xf32, #tpu.memory_space<vmem>>, vector<512x1xf32>
    %div3A_32 = arith.constant 1.000000e+01 : f32
    %div3A_33 = vector.broadcast %div3A_32 : f32 to vector<512x1xf32>
    %div3A_34 = arith.divf %get3A_31, %div3A_33 : vector<512x1xf32>
    %eq3A_35 = vector.broadcast %sub3A_28 : vector<512x1xi32> to vector<512x256xi32>
    %eq3A_36 = arith.cmpi eq, %iota3A, %eq3A_35 : vector<512x256xi32>
    %jit3A_37 = arith.constant 0.000000e+00 : f32
    %broadcast_in_dim3A_38 = vector.shape_cast %div3A_34 : vector<512x1xf32> to vector<512x1xf32>
    %broadcast_in_dim3A_39 = vector.broadcast %broadcast_in_dim3A_38 : vector<512x1xf32> to vector<512x256xf32>
    %broadcast_in_dim3A_40 = vector.broadcast %jit3A_37 : f32 to vector<512x256xf32>
    %select_n3A_41 = arith.select %eq3A_36, %broadcast_in_dim3A_39, %broadcast_in_dim3A_40 : vector<512x256xi1>, vector<512x256xf32>
    %add3A_42 = arith.addf %add3A, %select_n3A_41 : vector<512x256xf32>
    %get3A_43 = arith.constant 0 : index
    %get3A_44 = arith.constant 2 : index
    %get3A_45 = vector.load %arg10[%get3A_43, %get3A_44] : memref<512x16xi32, #tpu.memory_space<vmem>>, vector<512x1xi32>
    %mul3A_46 = arith.constant 256 : i32
    %mul3A_47 = arith.muli %arg0, %mul3A_46 : i32
    %sub3A_48 = vector.broadcast %mul3A_47 : i32 to vector<512x1xi32>
    %sub3A_49 = arith.subi %get3A_45, %sub3A_48 : vector<512x1xi32>
    %get3A_50 = arith.constant 0 : index
    %get3A_51 = arith.constant 2 : index
    %get3A_52 = vector.load %arg9[%get3A_50, %get3A_51] : memref<512x16xf32, #tpu.memory_space<vmem>>, vector<512x1xf32>
    %div3A_53 = arith.constant 1.000000e+01 : f32
    %div3A_54 = vector.broadcast %div3A_53 : f32 to vector<512x1xf32>
    %div3A_55 = arith.divf %get3A_52, %div3A_54 : vector<512x1xf32>
    %eq3A_56 = vector.broadcast %sub3A_49 : vector<512x1xi32> to vector<512x256xi32>
    %eq3A_57 = arith.cmpi eq, %iota3A, %eq3A_56 : vector<512x256xi32>
    %jit3A_58 = arith.constant 0.000000e+00 : f32
    %broadcast_in_dim3A_59 = vector.shape_cast %div3A_55 : vector<512x1xf32> to vector<512x1xf32>
    %broadcast_in_dim3A_60 = vector.broadcast %broadcast_in_dim3A_59 : vector<512x1xf32> to vector<512x256xf32>
    %broadcast_in_dim3A_61 = vector.broadcast %jit3A_58 : f32 to vector<512x256xf32>
    %select_n3A_62 = arith.select %eq3A_57, %broadcast_in_dim3A_60, %broadcast_in_dim3A_61 : vector<512x256xi1>, vector<512x256xf32>
    %add3A_63 = arith.addf %add3A_42, %select_n3A_62 : vector<512x256xf32>
    %get3A_64 = arith.constant 0 : index
    %get3A_65 = arith.constant 3 : index
    %get3A_66 = vector.load %arg10[%get3A_64, %get3A_65] : memref<512x16xi32, #tpu.memory_space<vmem>>, vector<512x1xi32>
    %mul3A_67 = arith.constant 256 : i32
    %mul3A_68 = arith.muli %arg0, %mul3A_67 : i32
    %sub3A_69 = vector.broadcast %mul3A_68 : i32 to vector<512x1xi32>
    %sub3A_70 = arith.subi %get3A_66, %sub3A_69 : vector<512x1xi32>
    %get3A_71 = arith.constant 0 : index
    %get3A_72 = arith.constant 3 : index
    %get3A_73 = vector.load %arg9[%get3A_71, %get3A_72] : memref<512x16xf32, #tpu.memory_space<vmem>>, vector<512x1xf32>
    %div3A_74 = arith.constant 1.000000e+01 : f32
    %div3A_75 = vector.broadcast %div3A_74 : f32 to vector<512x1xf32>
    %div3A_76 = arith.divf %get3A_73, %div3A_75 : vector<512x1xf32>
    %eq3A_77 = vector.broadcast %sub3A_70 : vector<512x1xi32> to vector<512x256xi32>
    %eq3A_78 = arith.cmpi eq, %iota3A, %eq3A_77 : vector<512x256xi32>
    %jit3A_79 = arith.constant 0.000000e+00 : f32
    %broadcast_in_dim3A_80 = vector.shape_cast %div3A_76 : vector<512x1xf32> to vector<512x1xf32>
    %broadcast_in_dim3A_81 = vector.broadcast %broadcast_in_dim3A_80 : vector<512x1xf32> to vector<512x256xf32>
    %broadcast_in_dim3A_82 = vector.broadcast %jit3A_79 : f32 to vector<512x256xf32>
    %select_n3A_83 = arith.select %eq3A_78, %broadcast_in_dim3A_81, %broadcast_in_dim3A_82 : vector<512x256xi1>, vector<512x256xf32>
    %add3A_84 = arith.addf %add3A_63, %select_n3A_83 : vector<512x256xf32>
    %get3A_85 = arith.constant 0 : index
    %get3A_86 = arith.constant 4 : index
    %get3A_87 = vector.load %arg10[%get3A_85, %get3A_86] : memref<512x16xi32, #tpu.memory_space<vmem>>, vector<512x1xi32>
    %mul3A_88 = arith.constant 256 : i32
    %mul3A_89 = arith.muli %arg0, %mul3A_88 : i32
    %sub3A_90 = vector.broadcast %mul3A_89 : i32 to vector<512x1xi32>
    %sub3A_91 = arith.subi %get3A_87, %sub3A_90 : vector<512x1xi32>
    %get3A_92 = arith.constant 0 : index
    %get3A_93 = arith.constant 4 : index
    %get3A_94 = vector.load %arg9[%get3A_92, %get3A_93] : memref<512x16xf32, #tpu.memory_space<vmem>>, vector<512x1xf32>
    %div3A_95 = arith.constant 1.000000e+01 : f32
    %div3A_96 = vector.broadcast %div3A_95 : f32 to vector<512x1xf32>
    %div3A_97 = arith.divf %get3A_94, %div3A_96 : vector<512x1xf32>
    %eq3A_98 = vector.broadcast %sub3A_91 : vector<512x1xi32> to vector<512x256xi32>
    %eq3A_99 = arith.cmpi eq, %iota3A, %eq3A_98 : vector<512x256xi32>
    %jit3A_100 = arith.constant 0.000000e+00 : f32
    %broadcast_in_dim3A_101 = vector.shape_cast %div3A_97 : vector<512x1xf32> to vector<512x1xf32>
    %broadcast_in_dim3A_102 = vector.broadcast %broadcast_in_dim3A_101 : vector<512x1xf32> to vector<512x256xf32>
    %broadcast_in_dim3A_103 = vector.broadcast %jit3A_100 : f32 to vector<512x256xf32>
    %select_n3A_104 = arith.select %eq3A_99, %broadcast_in_dim3A_102, %broadcast_in_dim3A_103 : vector<512x256xi1>, vector<512x256xf32>
    %add3A_105 = arith.addf %add3A_84, %select_n3A_104 : vector<512x256xf32>
    %get3A_106 = arith.constant 0 : index
    %get3A_107 = arith.constant 5 : index
    %get3A_108 = vector.load %arg10[%get3A_106, %get3A_107] : memref<512x16xi32, #tpu.memory_space<vmem>>, vector<512x1xi32>
    %mul3A_109 = arith.constant 256 : i32
    %mul3A_110 = arith.muli %arg0, %mul3A_109 : i32
    %sub3A_111 = vector.broadcast %mul3A_110 : i32 to vector<512x1xi32>
    %sub3A_112 = arith.subi %get3A_108, %sub3A_111 : vector<512x1xi32>
    %get3A_113 = arith.constant 0 : index
    %get3A_114 = arith.constant 5 : index
    %get3A_115 = vector.load %arg9[%get3A_113, %get3A_114] : memref<512x16xf32, #tpu.memory_space<vmem>>, vector<512x1xf32>
    %div3A_116 = arith.constant 1.000000e+01 : f32
    %div3A_117 = vector.broadcast %div3A_116 : f32 to vector<512x1xf32>
    %div3A_118 = arith.divf %get3A_115, %div3A_117 : vector<512x1xf32>
    %eq3A_119 = vector.broadcast %sub3A_112 : vector<512x1xi32> to vector<512x256xi32>
    %eq3A_120 = arith.cmpi eq, %iota3A, %eq3A_119 : vector<512x256xi32>
    %jit3A_121 = arith.constant 0.000000e+00 : f32
    %broadcast_in_dim3A_122 = vector.shape_cast %div3A_118 : vector<512x1xf32> to vector<512x1xf32>
    %broadcast_in_dim3A_123 = vector.broadcast %broadcast_in_dim3A_122 : vector<512x1xf32> to vector<512x256xf32>
    %broadcast_in_dim3A_124 = vector.broadcast %jit3A_121 : f32 to vector<512x256xf32>
    %select_n3A_125 = arith.select %eq3A_120, %broadcast_in_dim3A_123, %broadcast_in_dim3A_124 : vector<512x256xi1>, vector<512x256xf32>
    %add3A_126 = arith.addf %add3A_105, %select_n3A_125 : vector<512x256xf32>
    %get3A_127 = arith.constant 0 : index
    %get3A_128 = arith.constant 6 : index
    %get3A_129 = vector.load %arg10[%get3A_127, %get3A_128] : memref<512x16xi32, #tpu.memory_space<vmem>>, vector<512x1xi32>
    %mul3A_130 = arith.constant 256 : i32
    %mul3A_131 = arith.muli %arg0, %mul3A_130 : i32
    %sub3A_132 = vector.broadcast %mul3A_131 : i32 to vector<512x1xi32>
    %sub3A_133 = arith.subi %get3A_129, %sub3A_132 : vector<512x1xi32>
    %get3A_134 = arith.constant 0 : index
    %get3A_135 = arith.constant 6 : index
    %get3A_136 = vector.load %arg9[%get3A_134, %get3A_135] : memref<512x16xf32, #tpu.memory_space<vmem>>, vector<512x1xf32>
    %div3A_137 = arith.constant 1.000000e+01 : f32
    %div3A_138 = vector.broadcast %div3A_137 : f32 to vector<512x1xf32>
    %div3A_139 = arith.divf %get3A_136, %div3A_138 : vector<512x1xf32>
    %eq3A_140 = vector.broadcast %sub3A_133 : vector<512x1xi32> to vector<512x256xi32>
    %eq3A_141 = arith.cmpi eq, %iota3A, %eq3A_140 : vector<512x256xi32>
    %jit3A_142 = arith.constant 0.000000e+00 : f32
    %broadcast_in_dim3A_143 = vector.shape_cast %div3A_139 : vector<512x1xf32> to vector<512x1xf32>
    %broadcast_in_dim3A_144 = vector.broadcast %broadcast_in_dim3A_143 : vector<512x1xf32> to vector<512x256xf32>
    %broadcast_in_dim3A_145 = vector.broadcast %jit3A_142 : f32 to vector<512x256xf32>
    %select_n3A_146 = arith.select %eq3A_141, %broadcast_in_dim3A_144, %broadcast_in_dim3A_145 : vector<512x256xi1>, vector<512x256xf32>
    %add3A_147 = arith.addf %add3A_126, %select_n3A_146 : vector<512x256xf32>
    %get3A_148 = arith.constant 0 : index
    %get3A_149 = arith.constant 7 : index
    %get3A_150 = vector.load %arg10[%get3A_148, %get3A_149] : memref<512x16xi32, #tpu.memory_space<vmem>>, vector<512x1xi32>
    %mul3A_151 = arith.constant 256 : i32
    %mul3A_152 = arith.muli %arg0, %mul3A_151 : i32
    %sub3A_153 = vector.broadcast %mul3A_152 : i32 to vector<512x1xi32>
    %sub3A_154 = arith.subi %get3A_150, %sub3A_153 : vector<512x1xi32>
    %get3A_155 = arith.constant 0 : index
    %get3A_156 = arith.constant 7 : index
    %get3A_157 = vector.load %arg9[%get3A_155, %get3A_156] : memref<512x16xf32, #tpu.memory_space<vmem>>, vector<512x1xf32>
    %div3A_158 = arith.constant 1.000000e+01 : f32
    %div3A_159 = vector.broadcast %div3A_158 : f32 to vector<512x1xf32>
    %div3A_160 = arith.divf %get3A_157, %div3A_159 : vector<512x1xf32>
    %eq3A_161 = vector.broadcast %sub3A_154 : vector<512x1xi32> to vector<512x256xi32>
    %eq3A_162 = arith.cmpi eq, %iota3A, %eq3A_161 : vector<512x256xi32>
    %jit3A_163 = arith.constant 0.000000e+00 : f32
    %broadcast_in_dim3A_164 = vector.shape_cast %div3A_160 : vector<512x1xf32> to vector<512x1xf32>
    %broadcast_in_dim3A_165 = vector.broadcast %broadcast_in_dim3A_164 : vector<512x1xf32> to vector<512x256xf32>
    %broadcast_in_dim3A_166 = vector.broadcast %jit3A_163 : f32 to vector<512x256xf32>
    %select_n3A_167 = arith.select %eq3A_162, %broadcast_in_dim3A_165, %broadcast_in_dim3A_166 : vector<512x256xi1>, vector<512x256xf32>
    %add3A_168 = arith.addf %add3A_147, %select_n3A_167 : vector<512x256xf32>
    %get3A_169 = arith.constant 0 : index
    %get3A_170 = arith.constant 8 : index
    %get3A_171 = vector.load %arg10[%get3A_169, %get3A_170] : memref<512x16xi32, #tpu.memory_space<vmem>>, vector<512x1xi32>
    %mul3A_172 = arith.constant 256 : i32
    %mul3A_173 = arith.muli %arg0, %mul3A_172 : i32
    %sub3A_174 = vector.broadcast %mul3A_173 : i32 to vector<512x1xi32>
    %sub3A_175 = arith.subi %get3A_171, %sub3A_174 : vector<512x1xi32>
    %get3A_176 = arith.constant 0 : index
    %get3A_177 = arith.constant 8 : index
    %get3A_178 = vector.load %arg9[%get3A_176, %get3A_177] : memref<512x16xf32, #tpu.memory_space<vmem>>, vector<512x1xf32>
    %div3A_179 = arith.constant 1.000000e+01 : f32
    %div3A_180 = vector.broadcast %div3A_179 : f32 to vector<512x1xf32>
    %div3A_181 = arith.divf %get3A_178, %div3A_180 : vector<512x1xf32>
    %eq3A_182 = vector.broadcast %sub3A_175 : vector<512x1xi32> to vector<512x256xi32>
    %eq3A_183 = arith.cmpi eq, %iota3A, %eq3A_182 : vector<512x256xi32>
    %jit3A_184 = arith.constant 0.000000e+00 : f32
    %broadcast_in_dim3A_185 = vector.shape_cast %div3A_181 : vector<512x1xf32> to vector<512x1xf32>
    %broadcast_in_dim3A_186 = vector.broadcast %broadcast_in_dim3A_185 : vector<512x1xf32> to vector<512x256xf32>
    %broadcast_in_dim3A_187 = vector.broadcast %jit3A_184 : f32 to vector<512x256xf32>
    %select_n3A_188 = arith.select %eq3A_183, %broadcast_in_dim3A_186, %broadcast_in_dim3A_187 : vector<512x256xi1>, vector<512x256xf32>
    %add3A_189 = arith.addf %add3A_168, %select_n3A_188 : vector<512x256xf32>
    %get3A_190 = arith.constant 0 : index
    %get3A_191 = arith.constant 9 : index
    %get3A_192 = vector.load %arg10[%get3A_190, %get3A_191] : memref<512x16xi32, #tpu.memory_space<vmem>>, vector<512x1xi32>
    %mul3A_193 = arith.constant 256 : i32
    %mul3A_194 = arith.muli %arg0, %mul3A_193 : i32
    %sub3A_195 = vector.broadcast %mul3A_194 : i32 to vector<512x1xi32>
    %sub3A_196 = arith.subi %get3A_192, %sub3A_195 : vector<512x1xi32>
    %get3A_197 = arith.constant 0 : index
    %get3A_198 = arith.constant 9 : index
    %get3A_199 = vector.load %arg9[%get3A_197, %get3A_198] : memref<512x16xf32, #tpu.memory_space<vmem>>, vector<512x1xf32>
    %div3A_200 = arith.constant 1.000000e+01 : f32
    %div3A_201 = vector.broadcast %div3A_200 : f32 to vector<512x1xf32>
    %div3A_202 = arith.divf %get3A_199, %div3A_201 : vector<512x1xf32>
    %eq3A_203 = vector.broadcast %sub3A_196 : vector<512x1xi32> to vector<512x256xi32>
    %eq3A_204 = arith.cmpi eq, %iota3A, %eq3A_203 : vector<512x256xi32>
    %jit3A_205 = arith.constant 0.000000e+00 : f32
    %broadcast_in_dim3A_206 = vector.shape_cast %div3A_202 : vector<512x1xf32> to vector<512x1xf32>
    %broadcast_in_dim3A_207 = vector.broadcast %broadcast_in_dim3A_206 : vector<512x1xf32> to vector<512x256xf32>
    %broadcast_in_dim3A_208 = vector.broadcast %jit3A_205 : f32 to vector<512x256xf32>
    %select_n3A_209 = arith.select %eq3A_204, %broadcast_in_dim3A_207, %broadcast_in_dim3A_208 : vector<512x256xi1>, vector<512x256xf32>
    %add3A_210 = arith.addf %add3A_189, %select_n3A_209 : vector<512x256xf32>
    %get3A_211 = arith.constant 0 : index
    %get3A_212 = arith.constant 0 : index
    %get3A_213 = vector.load %arg11[%get3A_211, %get3A_212] : memref<512x256xf32, #tpu.memory_space<vmem>>, vector<512x256xf32>
    %dot_general3A = arith.constant dense<0.000000e+00> : vector<512x256xf32>
    %dot_general3A_214 = tpu.matmul %add3A_210, %get3A_5, %dot_general3A {dimension_numbers = #tpu.dot_dimension_numbers<[1], [0], [0], [1], [0, 0, 1, 1], [], []>, transpose_lhs_hint = false} : vector<512x256xf32>, vector<256x256xf32>, vector<512x256xf32> -> vector<512x256xf32>
    %add3A_215 = arith.addf %get3A_213, %dot_general3A_214 : vector<512x256xf32>
    %swap3A = arith.constant 0 : index
    %swap3A_216 = arith.constant 0 : index
    %swap3A_217 = vector.load %arg11[%swap3A, %swap3A_216] : memref<512x256xf32, #tpu.memory_space<vmem>>, vector<512x256xf32>
    tpu.vector_store %arg11[%swap3A, %swap3A_216], %add3A_215 {strides = array<i32>} : memref<512x256xf32, #tpu.memory_space<vmem>>, vector<512x256xf32>,
    %eq3A_218 = arith.constant 39 : i32
    %eq3A_219 = arith.cmpi eq, %arg0, %eq3A_218 : i32
    %convert_element_type3A_220 = arith.extui %eq3A_219 : i1 to i32
    %cond3A_221 = arith.constant 0 : i32
    %cond3A_222 = arith.cmpi ne, %convert_element_type3A_220, %cond3A_221 : i32
    scf.if %cond3A_222 {
      %get3A_223 = arith.constant 0 : index
      %get3A_224 = arith.constant 0 : index
      %get3A_225 = vector.load %arg4[%get3A_223, %get3A_224] : memref<512x256xf32, #tpu.memory_space<vmem>>, vector<512x256xf32>
      %get3A_226 = arith.constant 0 : index
      %get3A_227 = arith.constant 0 : index
      %get3A_228 = vector.load %arg5[%get3A_226, %get3A_227] : memref<256x1xf32, #tpu.memory_space<vmem>>, vector<256x1xf32>
      %dot_general3A_229 = arith.constant dense<0.000000e+00> : vector<512x1xf32>
      %dot_general3A_230 = tpu.matmul %get3A_225, %get3A_228, %dot_general3A_229 {dimension_numbers = #tpu.dot_dimension_numbers<[1], [0], [0], [1], [0, 0, 1, 1], [], []>, transpose_lhs_hint = false} : vector<512x256xf32>, vector<256x1xf32>, vector<512x1xf32> -> vector<512x1xf32>
      %get3A_231 = arith.constant 0 : index
      %get3A_232 = arith.constant 0 : index
      %get3A_233 = vector.load %arg6[%get3A_231, %get3A_232] : memref<256x1xf32, #tpu.memory_space<vmem>>, vector<256x1xf32>
      %dot_general3A_234 = arith.constant dense<0.000000e+00> : vector<512x1xf32>
      %dot_general3A_235 = tpu.matmul %add3A_215, %get3A_233, %dot_general3A_234 {dimension_numbers = #tpu.dot_dimension_numbers<[1], [0], [0], [1], [0, 0, 1, 1], [], []>, transpose_lhs_hint = false} : vector<512x256xf32>, vector<256x1xf32>, vector<512x1xf32> -> vector<512x1xf32>
      %add3A_236 = arith.addf %dot_general3A_230, %dot_general3A_235 : vector<512x1xf32>
      %get3A_237 = arith.constant 0 : index
      %get3A_238 = arith.constant 0 : index
      %get3A_239 = vector.load %arg7[%get3A_237, %get3A_238] : memref<1x1xf32, #tpu.memory_space<vmem>>, vector<1x1xf32>
      %add3A_240 = vector.broadcast %get3A_239 : vector<1x1xf32> to vector<512x1xf32>
      %add3A_241 = arith.addf %add3A_236, %add3A_240 : vector<512x1xf32>
      %swap3A_242 = arith.constant 0 : index
      %swap3A_243 = arith.constant 0 : index
      %swap3A_244 = vector.load %arg8[%swap3A_242, %swap3A_243] : memref<512x1xf32, #tpu.memory_space<vmem>>, vector<512x1xf32>
      tpu.vector_store %arg8[%swap3A_242, %swap3A_243], %add3A_241 {strides = array<i32>} : memref<512x1xf32, #tpu.memory_space<vmem>>, vector<512x1xf32>,
    } else {
    }
    return
  }
  func.func @transform_0(%arg0: i32) -> (i32, i32) {
    %c0_i32 = arith.constant 0 : i32
    %c0_i32_0 = arith.constant 0 : i32
    %c0_i32_1 = arith.constant 0 : i32
    return %c0_i32, %c0_i32_0 : i32, i32
  }
  func.func @transform_1(%arg0: i32) -> (i32, i32) {
    %c0_i32 = arith.constant 0 : i32
    %c0_i32_0 = arith.constant 0 : i32
    %c0_i32_1 = arith.constant 0 : i32
    return %c0_i32, %c0_i32_0 : i32, i32
  }
  func.func @transform_2(%arg0: i32) -> (i32, i32, i32) {
    %c0_i32 = arith.constant 0 : i32
    %c0_i32_0 = arith.constant 0 : i32
    %c0_i32_1 = arith.constant 0 : i32
    return %arg0, %c0_i32, %c0_i32_0 : i32, i32, i32
  }
  func.func @transform_3(%arg0: i32) -> (i32, i32) {
    %c0_i32 = arith.constant 0 : i32
    %c0_i32_0 = arith.constant 0 : i32
    %c0_i32_1 = arith.constant 0 : i32
    return %c0_i32, %c0_i32_0 : i32, i32
  }
  func.func @transform_4(%arg0: i32) -> (i32, i32) {
    %c0_i32 = arith.constant 0 : i32
    %c0_i32_0 = arith.constant 0 : i32
    %c0_i32_1 = arith.constant 0 : i32
    return %c0_i32, %c0_i32_0 : i32, i32
  }
  func.func @transform_5(%arg0: i32) -> (i32, i32) {
    %c0_i32 = arith.constant 0 : i32
    %c0_i32_0 = arith.constant 0 : i32
    %c0_i32_1 = arith.constant 0 : i32
    return %c0_i32, %c0_i32_0 : i32, i32
  }
  func.func @transform_6(%arg0: i32) -> (i32, i32) {
    %c0_i32 = arith.constant 0 : i32
    %c0_i32_0 = arith.constant 0 : i32
    %c0_i32_1 = arith.constant 0 : i32
    return %c0_i32, %c0_i32_0 : i32, i32
  }
  func.func @transform_7(%arg0: i32) -> (i32, i32) {
    %c0_i32 = arith.constant 0 : i32
    %c0_i32_0 = arith.constant 0 : i32
    %c0_i32_1 = arith.constant 0 : i32
    return %c0_i32, %c0_i32_0 : i32, i32
  }
}

</mosaic_0001>

<sc_bundles>
// kernel: kernel.7.cloned.1.call-start
scs
__scs_entry_jumppad:
0x0: {  	(pc) =	sbr.rel $0x88, $3  }
0x1: {  	(tag) =	ssettag $0x0;
	lr =	simm.s32 $0x1  }
0x2: {  	[smem:$0x3F8C] =	sst lr;
	_ =	strace $0xD0000000  }
0x3: {  	_ = 	snop  }
0x4: {  	_ = 	snop  }
0x5: {  	_ = 	snop  }
0x6: {  	_ = 	snop  }
0x7: {  	_ = 	snop  }
__scs_overlays_trampoline_lowered:
0x8: {  	[smem:$0x3F9B] =	sst s0  }
0x9: {  	[smem:$0x3F9C] =	sst s1  }
0xa: {  	[smem:$0x3F9D] =	sst s2  }
0xb: {  	[smem:$0x3F9E] =	sst s3  }
0xc: {  	[smem:$0x3F9F] =	sst s4  }
0xd: {  	[smem:$0x3FA0] =	sst s5  }
0xe: {  	[smem:$0x3FA1] =	sst s6  }
0xf: {  	[smem:$0x3FA2] =	sst s7  }
0x10: {  	[smem:$0x3FA3] =	sst s8  }
0x11: {  	[smem:$0x3FA4] =	sst s9;
	s0 =	simm.s32 @!p0 $0x0  }
0x12: {  	s1 =	sld [smem:$0x3F8A];
	s0 =	simm.s32 @p0 $0x1  }
0x13: {  	[smem:$0x3FA5] =	sst s0;
	s0 =	simm.s32 @!p1 $0x0  }
0x14: {  	s2 =	sld [smem:$0x3F89];
	s0 =	simm.s32 @p1 $0x1  }
0x15: {  	[smem:$0x3FA6] =	sst s0;
	s0 =	simm.s32 @!p2 $0x0  }
0x16: {  	s3 =	sld [smem:$0x3FDB];
	s0 =	simm.s32 @p2 $0x1  }
0x17: {  	s4 =	simm.s32 $0x1BF5;
	[smem:$0x3FA8] =	sst s0  }
0x18: {  	s0 =	sld [smem:$0x3F8B];
	_ =	swait.ge [sflag:s4], $0x0  }
0x19: {  	s7 =	sld [smem:$0x3F8C]  }
0x1a: {  	s8 =	sadd.s32 $0xFFFFE003, lr  }
0x1b: {  	s9 =	sadd.s32 $0xFFFFFEF7, lr;
	s5 =	simm.s32 $0xFFFFFFFF;
	p2 =	slt.u32 s8, $0xFFFFF086  }
0x1c: {  	p1 =	slt.u32 s9, $0xF7A;
	s5 =	simm.s32 @!p2 $0x0  }
0x1d: {  	s5 =	simm.s32 @p1 $0x1;
	p0 =	seq.s32 s7, s2  }
0x1e: {  	s7 =	smul.u32 @!p0 $0xF7A, s2;
	p2 =	seq.s32 @!p0 s5, $0x0  }
0x1f: {  	s9 =	smul.u32 $0xF7A, s1;
	s8 =	simm.s32 @!p0 $0x1BF5;
	p2 =	por !p2, p0  }
0x20: {  	[sflag:s8] =	ssyncset.s32 @!p0 $0xFFFFF086;
	s6 =	sadd.s32 @!p0 s3, s7;
	s7 =	simm.s32 @!p0 $0x108  }
0x21: {  	s3 =	sadd.s32 s3, s9;
	s6 =	sadd.s32 @!p0 $0x88, s6;
	s7 =	simm.s32 @p2 $0x1082  }
0x22: {  	[simem:s7], [sflag:s8] =	dma.local @!p0 [hbm:s6], $0xF7A  }
0x23: {  	s9 =	sor.u32 $0xD0000000, s2;
	s6 =	simm.s32 $0x108;
	_ =	swait.ge @!p0 [sflag:s8], $0x0  }
0x24: {  	s3 =	sadd.s32 $0x88, s3;
	s6 =	simm.s32 @!p1 $0x1082;
	[sflag:s4] =	ssyncset.s32 $0xFFFFF086  }
0x25: {  	[simem:s6], [sflag:s4] =	dma.local [hbm:s3], $0xF7A  }
0x26: {  	[smem:$0x3F8C] =	sst s1;
	(tag) =	ssettag s2;
	_ =	strace s9  }
0x27: {  	s1 =	sld [smem:$0x3F9C]  }
0x28: {  	s2 =	sld [smem:$0x3F9D]  }
0x29: {  	s4 =	sld [smem:$0x3F9F]  }
0x2a: {  	p0 =	seq.s32 s5, $0x0;
	s5 =	sld [smem:$0x3FA0]  }
0x2b: {  	s6 =	sld [smem:$0x3FA1]  }
0x2c: {  	s7 =	sld [smem:$0x3FA2]  }
0x2d: {  	s3 =	simm.s32 $0x108;
	s8 =	sld [smem:$0x3FA3]  }
0x2e: {  	s3 =	simm.s32 @!p0 $0x1082;
	s9 =	sld [smem:$0x3FA4]  }
0x2f: {  	lr =	sadd.s32 s0, s3;
	s0 =	sld [smem:$0x3F9B]  }
0x30: {  	s3 =	sld [smem:$0x3F9E]  }
0x31: {  	[smem:$0x3FA7] =	sst s10  }
0x32: {  	s10 =	sld [smem:$0x3FA5];
	_ =	sdelay $0x3  }
0x33: {  	p0 =	seq.s32 s10, $0x1;
	s10 =	sld [smem:$0x3FA7];
	_ =	sdelay $0x3  }
0x34: {  	[smem:$0x3FA7] =	sst s10  }
0x35: {  	s10 =	sld [smem:$0x3FA6];
	_ =	sdelay $0x3  }
0x36: {  	p1 =	seq.s32 s10, $0x1;
	s10 =	sld [smem:$0x3FA7];
	_ =	sdelay $0x3  }
0x37: {  	[smem:$0x3FA7] =	sst s10  }
0x38: {  	s10 =	sld [smem:$0x3FA8]  }
0x39: {  	_ = 	snop;
	(pc) =	sbr.ind lr, $3  }
0x3a: {  	_ = 	snop  }
0x3b: {  	_ = 	snop  }
0x3c: {  	p2 =	seq.s32 s10, $0x1;
	s10 =	sld [smem:$0x3FA7]  }
0x3d: {  	_ =	shalt  }
0x3e: {  	_ =	shalt  }
0x3f: {  	_ =	shalt  }
0x40: {  	_ =	shalt  }
0x41: {  	_ =	shalt  }
0x42: {  	_ =	shalt  }
0x43: {  	_ =	shalt  }
0x44: {  	_ =	shalt  }
0x45: {  	_ =	shalt  }
0x46: {  	_ =	shalt  }
0x47: {  	_ =	shalt  }
0x48: {  	_ =	shalt  }
0x49: {  	_ =	shalt  }
0x4a: {  	_ =	shalt  }
0x4b: {  	_ =	shalt  }
0x4c: {  	_ =	shalt  }
0x4d: {  	_ =	shalt  }
0x4e: {  	_ =	shalt  }
0x4f: {  	_ =	shalt  }
0x50: {  	_ =	shalt  }
0x51: {  	_ =	shalt  }
0x52: {  	_ =	shalt  }
0x53: {  	_ =	shalt  }
0x54: {  	_ =	shalt  }
0x55: {  	_ =	shalt  }
0x56: {  	_ =	shalt  }
0x57: {  	_ =	shalt  }
0x58: {  	_ =	shalt  }
0x59: {  	_ =	shalt  }
0x5a: {  	_ =	shalt  }
0x5b: {  	_ =	shalt  }
0x5c: {  	_ =	shalt  }
0x5d: {  	_ =	shalt  }
0x5e: {  	_ =	shalt  }
0x5f: {  	_ =	shalt  }
0x60: {  	_ =	shalt  }
0x61: {  	_ =	shalt  }
0x62: {  	_ =	shalt  }
0x63: {  	_ =	shalt  }
0x64: {  	_ =	shalt  }
0x65: {  	_ =	shalt  }
0x66: {  	_ =	shalt  }
0x67: {  	_ =	shalt  }
0x68: {  	_ =	shalt  }
0x69: {  	_ =	shalt  }
0x6a: {  	_ =	shalt  }
0x6b: {  	_ =	shalt  }
0x6c: {  	_ =	shalt  }
0x6d: {  	_ =	shalt  }
0x6e: {  	_ =	shalt  }
0x6f: {  	_ =	shalt  }
0x70: {  	_ =	shalt  }
0x71: {  	_ =	shalt  }
0x72: {  	_ =	shalt  }
0x73: {  	_ =	shalt  }
0x74: {  	_ =	shalt  }
0x75: {  	_ =	shalt  }
0x76: {  	_ =	shalt  }
0x77: {  	_ =	shalt  }
0x78: {  	_ =	shalt  }
0x79: {  	_ =	shalt  }
0x7a: {  	_ =	shalt  }
0x7b: {  	_ =	shalt  }
0x7c: {  	_ =	shalt  }
0x7d: {  	_ =	shalt  }
0x7e: {  	_ =	shalt  }
0x7f: {  	_ =	shalt  }
0x80: {  	_ =	shalt  }
0x81: {  	_ =	shalt  }
0x82: {  	_ =	shalt  }
0x83: {  	_ =	shalt  }
0x84: {  	_ =	shalt  }
0x85: {  	_ =	shalt  }
0x86: {  	_ =	shalt  }
0x87: {  	_ =	shalt  }
.Lfunc_end0:
.L_simem_size_0:
called_computation_lowered:
.L_overlay_start_0:
0x88: {  	s2 =	sld [smem:$0x3FD9]  }
0x89: {  	s3 =	sld [smem:$0x3FFE];
	_ =	sdelay $0x1  }
0x8a: {  	s1 =	srdreg.scid  }
0x8b: {  	s0 =	sand.u32 $0x1, s1  }
0x8c: {  	s17 =	sshll.u32 s0, $0xA;
	s2 =	sadd.s32 s3, s2  }
0x8d: {  	s2 =	sadd.s32 s2, s17  }
0x8e: {  	[smem:$0x3FB3] =	sst s2  }
0x8f: {  	_ = 	snop  }
0x90: {  	s2 =	sld [smem:$0x3FC8];
	(tm) =	ssettm $0x1  }
0x91: {  	s18 =	sld [smem:$0x3FFB];
	_ =	sdelay $0x3  }
0x92: {  	_ =	strace s18  }
0x93: {  	s3 =	sld [smem:$0x3FFC];
	_ =	sdelay $0x3  }
0x94: {  	_ =	strace s3  }
0x95: {  	s3 =	sld [smem:$0x3FFD];
	_ =	sdelay $0x3  }
0x96: {  	_ =	strace s3  }
0x97: {  	_ =	strace $0x8FFFFFFF  }
0x98: {  	s19 =	sld [smem:$0x3FDB];
	_ =	sdelay $0x1  }
0x99: {  	s4 =	simm.s32 $_scs_section_size  }
0x9a: {  	s5 =	simm.s32 $_size__tile_overlayer_lowered;
	s6 =	simm.s32 $_tile_overlayer_lowered  }
0x9b: {  	s22 =	simm.s32 $0x1BFF;
	s21 =	sshll.u32 s6, $0x1;
	s3 =	sadd.s32 s4, s19  }
0x9c: {  	s7 =	simm.s32 $0x0;
	s20 =	sshll.u32 s5, $0x1;
	s5 =	sadd.s32 s21, s3  }
0x9d: {  	[timem:s7], [sflag:s22] =	dma.local [hbm:s5], s20  }
0x9e: {  	_ =	swait.ge [sflag:s22], s20  }
0x9f: {  	s4 =	ssub.s32 $0x0, s20;
	[sflag:s22] =	ssyncset.done $0x0  }
0xa0: {  	[sflag:s22] =	ssyncadd.s32 s4;
	_ =	sdelay $0x1  }
0xa1: {  	s23 =	simm.s32 $0x1B8B  }
0xa2: {  	_ =	swait.ge [sflag:s23], $0x1  }
0xa3: {  	[sflag:s23] =	ssyncset.done $0x0  }
0xa4: {  	s25 =	simm.s32 $0x1B8E;
	s24 =	sld [smem:$0x3FFE];
	[sflag:s23] =	ssyncadd.s32 $0xFFFFFFFF  }
0xa5: {  	s26 =	simm.s32 $execute0_lowered;
	[smem:$0x3FD2] =	sst s25  }
0xa6: {  	s5 =	sshll.u32 s26, $0x1;
	_ =	strace $0x80000046;
	[dreg:$0x1] =	wrdreg $0xFFFFFFFF  }
0xa7: {  	s28 =	simm.s32 $_size_execute0_lowered;
	s3 =	sadd.s32 s3, s5;
	[dreg:$0x0] =	wrdreg $0x0  }
0xa8: {  	s5 =	sshll.u32 s28, $0x1;
	[dreg:$0x2] =	wrdreg s3  }
0xa9: {  	[dreg:$0x3] =	wrdreg s5  }
0xaa: {  	[dreg:$0x4] =	wrdreg $0xC0  }
0xab: {  	_ =	task [dreg:s7], $0x5FFFF  }
0xac: {  	[dreg:$0x1] =	wrdreg $0xFFFFFFFF  }
0xad: {  	[dreg:$0x0] =	wrdreg $0x60  }
0xae: {  	[dreg:$0x2] =	wrdreg s2  }
0xaf: {  	[dreg:$0x3] =	wrdreg s24  }
0xb0: {  	[dreg:$0x4] =	wrdreg $0x9  }
0xb1: {  	_ =	task.clear_ibuf [dreg:s7], $0x5FFFF;
	_ =	strace $0x90000046  }
0xb2: {  	s29 =	simm.s32 $0x9;
	_ =	strace $0x80000048  }
0xb3: {  	_ =	swait.ge [sflag:s29], $0x1  }
0xb4: {  	[sflag:s29] =	ssyncadd.s32 $0xFFFFFFFF  }
0xb5: {  	_ =	strace $0x90000048  }
0xb6: {  	_ =	sfence  }
0xb7: {  	s30 =	sld [smem:$0x0];
	_ =	sdelay $0x2  }
0xb8: {  	s31 =	sshll.u32 s1, $0xD;
	s1 =	sshrl.u32 s1, $0x2  }
0xb9: {  	s3 =	sand.u32 $0x4000, s31;
	s1 =	sadd.s32 s1, s30  }
0xba: {  	s0 =	sor.u32 s3, s0;
	s1 =	sshll.u32 s1, $0x11  }
0xbb: {  	s0 =	sor.u32 s1, s0  }
0xbc: {  	s0 =	sadd.s32 $0x8F2B, s0  }
0xbd: {  	[sflag:s0] =	ssyncadd.remote.s32 $0x1  }
0xbe: {  	_ =	sfence.sel $0xFFFF  }
0xbf: {  	[dreg:$0x0] =	wrdreg $0xFFFFFFFF;
	(pc) =	sbr.abs _section_cstart, $3  }
0xc0: {  	[dreg:$0x1] =	wrdreg $0xFFFFFFFF  }
0xc1: {  	_ =	task.clear_ibuf [dreg:s7], $0x2FFFF;
	_ =	strace $0x9FFFFFFF  }
0xc2: {  	(tm) =	ssettm $0x7FFFFFFF  }
0xc3: {  	_ =	shalt  }
tec
execute0_lowered:
.L_overlay_start_1:
0x0: {  	(tag) =	ssettag $0x1  }
0x1: {  	s1 =	srdreg.scid;
	s0 =	stileid.u32  }
0x2: {  	s2 =	rddreg [dreg:$0x0];
	s1 =	sand.u32 $0x1, s1;
	s3 =	sshll.u32 s0, $0x1  }
0x3: {  	s5 =	rddreg [dreg:$0x1];
	s4 =	sor.u32 s1, s3;
	s3 =	simm.s32 $0x0  }
0x4: {  	s11 =	simm.s32 $0x980;
	[smem:$0x7FF] =	sst s3  }
0x5: {  	s12 =	simm.s32 $0x1180;
	_ =	strace $0x80000047;
	[dreg:$0x5] =	wrdreg s11  }
0x6: {  	s13 =	simm.s32 $0x1980;
	[dreg:$0x6] =	wrdreg s12  }
0x7: {  	s14 =	simm.s32 $0x2180;
	[dreg:$0x7] =	wrdreg s13  }
0x8: {  	s15 =	simm.s32 $0x2980;
	[dreg:$0x8] =	wrdreg s14  }
0x9: {  	s16 =	simm.s32 $0x3180;
	[dreg:$0x9] =	wrdreg s15  }
0xa: {  	s17 =	simm.s32 $0x3980;
	s18 =	simm.s32 $0x4180;
	[dreg:$0xa] =	wrdreg s16  }
0xb: {  	s19 =	simm.s32 $0x4980;
	s20 =	simm.s32 $0x5180;
	[dreg:$0xb] =	wrdreg s17  }
0xc: {  	s21 =	simm.s32 $0x5980;
	s23 =	simm.s32 $0x6180;
	[dreg:$0xc] =	wrdreg s18  }
0xd: {  	s24 =	simm.s32 $0x6980;
	s25 =	simm.s32 $0x7180;
	[dreg:$0xd] =	wrdreg s19  }
0xe: {  	s26 =	simm.s32 $0x7980;
	s8 =	simm.s32 $0x8980;
	[dreg:$0xe] =	wrdreg s20  }
0xf: {  	s9 =	simm.s32 $0x9180;
	s28 =	simm.s32 $0x12180;
	[dreg:$0xf] =	wrdreg s21  }
0x10: {  	s29 =	simm.s32 $0x12980;
	s30 =	simm.s32 $0x13180;
	[dreg:$0x10] =	wrdreg s23  }
0x11: {  	s31 =	simm.s32 $0x13980;
	s1 =	ssub.s32 $0x2, s1;
	[dreg:$0x11] =	wrdreg s24  }
0x12: {  	s6 =	smul.u32 $0x28, s4;
	s22 =	sshrl.u32 s1, $0x1;
	[dreg:$0x12] =	wrdreg s25  }
0x13: {  	s4 =	smul.u32 $0x2800, s4;
	s1 =	ssub.s32 s1, s22;
	[dreg:$0x13] =	wrdreg s26  }
0x14: {  	s11 =	simm.s32 $0xA180;
	s12 =	simm.s32 $0xA980;
	s13 =	simm.s32 $0xB180  }
0x15: {  	s14 =	simm.s32 $0xB980;
	s15 =	simm.s32 $0xC180;
	s16 =	simm.s32 $0xC980  }
0x16: {  	s17 =	simm.s32 $0xD180;
	s18 =	simm.s32 $0xD980;
	s19 =	simm.s32 $0xE180  }
0x17: {  	s20 =	simm.s32 $0xE980;
	s21 =	simm.s32 $0xF180;
	s22 =	simm.s32 $0xF980  }
0x18: {  	s23 =	simm.s32 $0x10180;
	s24 =	simm.s32 $0x10980;
	s6 =	sadd.s32 s6, s5  }
0x19: {  	s25 =	simm.s32 $0x11180;
	s4 =	sadd.s32 s4, s5;
	s10 =	sadd.s32 $0x3200, s6  }
0x1a: {  	v2 =	vlaneseq.u32;
	s26 =	simm.s32 $0x11980;
	s4 =	sadd.s32 $0x3800, s4;
	[dreg:$0x3] =	wrdreg s10  }
0x1b: {  	vm0 =	vmmov $0xffff;
	v1 =	vshrl.u32 v2, $0x3;
	s5 =	simm.s32 $0x2;
	s6 =	simm.s32 $0x180;
	[dreg:$0x4] =	wrdreg s4  }
0x1c: {  	v0 =	vand.u32 $0x7, v2;
	v2 =	vor.u32 $0x8, v2;
	v1 =	vmul.u32 $0x8, v1;
	s4 =	smax.u32 s1, $0x1;
	s10 =	simm.s32 $0x9980;
	s1 =	simm.s32 $0x1  }
.LBB2_1:
0x1d: {  	s0 =	rddreg [dreg:$0x3]  }
0x1e: {  	[tilespmem:s3], [sflag:$0x2] =	stream.linear.gather [hbm4b:s0+s3], $0x140, $0x38;
	[tilespmem:$0x14180] =	vst v63  }
0x1f: {  	_ =	swait.ge [sflag:s5], $0x140  }
0x20: {  	[sflag:s5] =	ssyncset.done $0x0  }
0x21: {  	[sflag:s5] =	ssyncadd.s32 $0xFFFFFEC0  }
0x22: {  	v3 =	vld [tilespmem:$0x0];
	_ =	sdelay $0x4  }
0x23: {  	v4 =	vshll.u32 v3, $0x1  }
0x24: {  	v3 =	vand.u32 $0x7, v3;
	v4 =	vand.u32 $0xFFFFFFF0, v4  }
0x25: {  	v3 =	vor.u32 v3, v4  }
0x26: {  	v4 =	vperm.xlane v3, v0;
	_ =	sdelay $0x1  }
0x27: {  	v3 =	vperm.xlane v3, v2;
	v4 =	vadd.s32 v1, v4;
	_ =	sdelay $0x1  }
0x28: {  	v3 =	vadd.s32 v1, v3;
	_ =	sdelay $0x2  }
0x29: {  	[tilespmem:s6], [sflag:$0x1] =	stream.indirect_vreg.gather [hbm4b:s2+s3], $0x80, v4, vm0, $0xb8;
	[tilespmem:$0x14180] =	vst v63  }
0x2a: {  	s7 =	rddreg [dreg:$0x5]  }
0x2b: {  	[tilespmem:s7], [sflag:$0x1] =	stream.indirect_vreg.gather [hbm4b:s2+s3], $0x80, v3, vm0, $0xb8;
	[tilespmem:$0x14180] =	vst v63  }
0x2c: {  	v3 =	vld [tilespmem:$0x10];
	_ =	sdelay $0x4  }
0x2d: {  	v45 =	vshll.u32 v3, $0x1  }
0x2e: {  	v3 =	vand.u32 $0x7, v3;
	v4 =	vand.u32 $0xFFFFFFF0, v45  }
0x2f: {  	v3 =	vor.u32 v3, v4  }
0x30: {  	v4 =	vperm.xlane v3, v0;
	_ =	sdelay $0x1  }
0x31: {  	v3 =	vperm.xlane v3, v2;
	v4 =	vadd.s32 v1, v4;
	_ =	sdelay $0x1  }
0x32: {  	v3 =	vadd.s32 v1, v3;
	_ =	sdelay $0x1  }
0x33: {  	s0 =	rddreg [dreg:$0x6]  }
0x34: {  	[tilespmem:s0], [sflag:$0x1] =	stream.indirect_vreg.gather [hbm4b:s2+s3], $0x80, v4, vm0, $0xb8;
	[tilespmem:$0x14180] =	vst v63  }
0x35: {  	s7 =	rddreg [dreg:$0x7]  }
0x36: {  	[tilespmem:s7], [sflag:$0x1] =	stream.indirect_vreg.gather [hbm4b:s2+s3], $0x80, v3, vm0, $0xb8;
	[tilespmem:$0x14180] =	vst v63  }
0x37: {  	v3 =	vld [tilespmem:$0x20];
	_ =	sdelay $0x4  }
0x38: {  	v46 =	vshll.u32 v3, $0x1  }
0x39: {  	v3 =	vand.u32 $0x7, v3;
	v4 =	vand.u32 $0xFFFFFFF0, v46  }
0x3a: {  	v3 =	vor.u32 v3, v4  }
0x3b: {  	v4 =	vperm.xlane v3, v0;
	_ =	sdelay $0x1  }
0x3c: {  	v3 =	vperm.xlane v3, v2;
	v4 =	vadd.s32 v1, v4;
	_ =	sdelay $0x1  }
0x3d: {  	v3 =	vadd.s32 v1, v3;
	_ =	sdelay $0x1  }
0x3e: {  	s0 =	rddreg [dreg:$0x8]  }
0x3f: {  	[tilespmem:s0], [sflag:$0x1] =	stream.indirect_vreg.gather [hbm4b:s2+s3], $0x80, v4, vm0, $0xb8;
	[tilespmem:$0x14180] =	vst v63  }
0x40: {  	s7 =	rddreg [dreg:$0x9]  }
0x41: {  	[tilespmem:s7], [sflag:$0x1] =	stream.indirect_vreg.gather [hbm4b:s2+s3], $0x80, v3, vm0, $0xb8;
	[tilespmem:$0x14180] =	vst v63  }
0x42: {  	v3 =	vld [tilespmem:$0x30];
	_ =	sdelay $0x4  }
0x43: {  	v47 =	vshll.u32 v3, $0x1  }
0x44: {  	v3 =	vand.u32 $0x7, v3;
	v4 =	vand.u32 $0xFFFFFFF0, v47  }
0x45: {  	v3 =	vor.u32 v3, v4  }
0x46: {  	v4 =	vperm.xlane v3, v0;
	_ =	sdelay $0x1  }
0x47: {  	v3 =	vperm.xlane v3, v2;
	v4 =	vadd.s32 v1, v4;
	_ =	sdelay $0x1  }
0x48: {  	v3 =	vadd.s32 v1, v3;
	_ =	sdelay $0x1  }
0x49: {  	s0 =	rddreg [dreg:$0xa]  }
0x4a: {  	[tilespmem:s0], [sflag:$0x1] =	stream.indirect_vreg.gather [hbm4b:s2+s3], $0x80, v4, vm0, $0xb8;
	[tilespmem:$0x14180] =	vst v63  }
0x4b: {  	s7 =	rddreg [dreg:$0xb]  }
0x4c: {  	[tilespmem:s7], [sflag:$0x1] =	stream.indirect_vreg.gather [hbm4b:s2+s3], $0x80, v3, vm0, $0xb8;
	[tilespmem:$0x14180] =	vst v63  }
0x4d: {  	v3 =	vld [tilespmem:$0x40];
	_ =	sdelay $0x4  }
0x4e: {  	v48 =	vshll.u32 v3, $0x1  }
0x4f: {  	v3 =	vand.u32 $0x7, v3;
	v4 =	vand.u32 $0xFFFFFFF0, v48  }
0x50: {  	v3 =	vor.u32 v3, v4  }
0x51: {  	v4 =	vperm.xlane v3, v0;
	_ =	sdelay $0x1  }
0x52: {  	v3 =	vperm.xlane v3, v2;
	v4 =	vadd.s32 v1, v4;
	_ =	sdelay $0x1  }
0x53: {  	v3 =	vadd.s32 v1, v3;
	_ =	sdelay $0x1  }
0x54: {  	s0 =	rddreg [dreg:$0xc]  }
0x55: {  	[tilespmem:s0], [sflag:$0x1] =	stream.indirect_vreg.gather [hbm4b:s2+s3], $0x80, v4, vm0, $0xb8;
	[tilespmem:$0x14180] =	vst v63  }
0x56: {  	s7 =	rddreg [dreg:$0xd]  }
0x57: {  	[tilespmem:s7], [sflag:$0x1] =	stream.indirect_vreg.gather [hbm4b:s2+s3], $0x80, v3, vm0, $0xb8;
	[tilespmem:$0x14180] =	vst v63  }
0x58: {  	v3 =	vld [tilespmem:$0x50];
	_ =	sdelay $0x4  }
0x59: {  	v49 =	vshll.u32 v3, $0x1  }
0x5a: {  	v3 =	vand.u32 $0x7, v3;
	v4 =	vand.u32 $0xFFFFFFF0, v49  }
0x5b: {  	v3 =	vor.u32 v3, v4  }
0x5c: {  	v4 =	vperm.xlane v3, v0;
	_ =	sdelay $0x1  }
0x5d: {  	v3 =	vperm.xlane v3, v2;
	v4 =	vadd.s32 v1, v4;
	_ =	sdelay $0x1  }
0x5e: {  	v3 =	vadd.s32 v1, v3;
	_ =	sdelay $0x1  }
0x5f: {  	s0 =	rddreg [dreg:$0xe]  }
0x60: {  	[tilespmem:s0], [sflag:$0x1] =	stream.indirect_vreg.gather [hbm4b:s2+s3], $0x80, v4, vm0, $0xb8;
	[tilespmem:$0x14180] =	vst v63  }
0x61: {  	s7 =	rddreg [dreg:$0xf]  }
0x62: {  	[tilespmem:s7], [sflag:$0x1] =	stream.indirect_vreg.gather [hbm4b:s2+s3], $0x80, v3, vm0, $0xb8;
	[tilespmem:$0x14180] =	vst v63  }
0x63: {  	v3 =	vld [tilespmem:$0x60];
	_ =	sdelay $0x4  }
0x64: {  	v50 =	vshll.u32 v3, $0x1  }
0x65: {  	v3 =	vand.u32 $0x7, v3;
	v4 =	vand.u32 $0xFFFFFFF0, v50  }
0x66: {  	v3 =	vor.u32 v3, v4  }
0x67: {  	v4 =	vperm.xlane v3, v0;
	_ =	sdelay $0x1  }
0x68: {  	v3 =	vperm.xlane v3, v2;
	v4 =	vadd.s32 v1, v4;
	_ =	sdelay $0x1  }
0x69: {  	v3 =	vadd.s32 v1, v3;
	_ =	sdelay $0x1  }
0x6a: {  	s0 =	rddreg [dreg:$0x10]  }
0x6b: {  	[tilespmem:s0], [sflag:$0x1] =	stream.indirect_vreg.gather [hbm4b:s2+s3], $0x80, v4, vm0, $0xb8;
	[tilespmem:$0x14180] =	vst v63  }
0x6c: {  	s7 =	rddreg [dreg:$0x11]  }
0x6d: {  	[tilespmem:s7], [sflag:$0x1] =	stream.indirect_vreg.gather [hbm4b:s2+s3], $0x80, v3, vm0, $0xb8;
	[tilespmem:$0x14180] =	vst v63  }
0x6e: {  	v3 =	vld [tilespmem:$0x70];
	_ =	sdelay $0x4  }
0x6f: {  	v51 =	vshll.u32 v3, $0x1  }
0x70: {  	v3 =	vand.u32 $0x7, v3;
	v4 =	vand.u32 $0xFFFFFFF0, v51  }
0x71: {  	v3 =	vor.u32 v3, v4  }
0x72: {  	v4 =	vperm.xlane v3, v0;
	_ =	sdelay $0x1  }
0x73: {  	v3 =	vperm.xlane v3, v2;
	v4 =	vadd.s32 v1, v4;
	_ =	sdelay $0x1  }
0x74: {  	v3 =	vadd.s32 v1, v3;
	_ =	sdelay $0x1  }
0x75: {  	s0 =	rddreg [dreg:$0x12]  }
0x76: {  	[tilespmem:s0], [sflag:$0x1] =	stream.indirect_vreg.gather [hbm4b:s2+s3], $0x80, v4, vm0, $0xb8;
	[tilespmem:$0x14180] =	vst v63  }
0x77: {  	s7 =	rddreg [dreg:$0x13]  }
0x78: {  	[tilespmem:s7], [sflag:$0x1] =	stream.indirect_vreg.gather [hbm4b:s2+s3], $0x80, v3, vm0, $0xb8;
	[tilespmem:$0x14180] =	vst v63  }
0x79: {  	v3 =	vld [tilespmem:$0x80];
	_ =	sdelay $0x4  }
0x7a: {  	v52 =	vshll.u32 v3, $0x1  }
0x7b: {  	v3 =	vand.u32 $0x7, v3;
	v4 =	vand.u32 $0xFFFFFFF0, v52  }
0x7c: {  	v3 =	vor.u32 v3, v4  }
0x7d: {  	v4 =	vperm.xlane v3, v0;
	_ =	sdelay $0x1  }
0x7e: {  	v3 =	vperm.xlane v3, v2;
	v4 =	vadd.s32 v1, v4;
	_ =	sdelay $0x1  }
0x7f: {  	v3 =	vadd.s32 v1, v3;
	_ =	sdelay $0x1  }
0x80: {  	s7 =	simm.s32 $0x8180  }
0x81: {  	[tilespmem:s7], [sflag:$0x1] =	stream.indirect_vreg.gather [hbm4b:s2+s3], $0x80, v4, vm0, $0xb8;
	[tilespmem:$0x14180] =	vst v63  }
0x82: {  	_ = 	snop  }
0x83: {  	[tilespmem:s8], [sflag:$0x1] =	stream.indirect_vreg.gather [hbm4b:s2+s3], $0x80, v3, vm0, $0xb8;
	[tilespmem:$0x14180] =	vst v63  }
0x84: {  	v3 =	vld [tilespmem:$0x90];
	_ =	sdelay $0x4  }
0x85: {  	v53 =	vshll.u32 v3, $0x1  }
0x86: {  	v3 =	vand.u32 $0x7, v3;
	v4 =	vand.u32 $0xFFFFFFF0, v53  }
0x87: {  	v3 =	vor.u32 v3, v4  }
0x88: {  	v4 =	vperm.xlane v3, v0;
	_ =	sdelay $0x1  }
0x89: {  	v3 =	vperm.xlane v3, v2;
	v4 =	vadd.s32 v1, v4;
	_ =	sdelay $0x1  }
0x8a: {  	v3 =	vadd.s32 v1, v3;
	_ =	sdelay $0x2  }
0x8b: {  	[tilespmem:s9], [sflag:$0x1] =	stream.indirect_vreg.gather [hbm4b:s2+s3], $0x80, v4, vm0, $0xb8;
	[tilespmem:$0x14180] =	vst v63  }
0x8c: {  	_ = 	snop  }
0x8d: {  	[tilespmem:s10], [sflag:$0x1] =	stream.indirect_vreg.gather [hbm4b:s2+s3], $0x80, v3, vm0, $0xb8;
	[tilespmem:$0x14180] =	vst v63  }
0x8e: {  	v3 =	vld [tilespmem:$0xA0];
	_ =	sdelay $0x4  }
0x8f: {  	v54 =	vshll.u32 v3, $0x1  }
0x90: {  	v3 =	vand.u32 $0x7, v3;
	v4 =	vand.u32 $0xFFFFFFF0, v54  }
0x91: {  	v3 =	vor.u32 v3, v4  }
0x92: {  	v4 =	vperm.xlane v3, v0;
	_ =	sdelay $0x1  }
0x93: {  	v3 =	vperm.xlane v3, v2;
	v4 =	vadd.s32 v1, v4;
	_ =	sdelay $0x1  }
0x94: {  	v3 =	vadd.s32 v1, v3;
	_ =	sdelay $0x2  }
0x95: {  	[tilespmem:s11], [sflag:$0x1] =	stream.indirect_vreg.gather [hbm4b:s2+s3], $0x80, v4, vm0, $0xb8;
	[tilespmem:$0x14180] =	vst v63  }
0x96: {  	_ = 	snop  }
0x97: {  	[tilespmem:s12], [sflag:$0x1] =	stream.indirect_vreg.gather [hbm4b:s2+s3], $0x80, v3, vm0, $0xb8;
	[tilespmem:$0x14180] =	vst v63  }
0x98: {  	v3 =	vld [tilespmem:$0xB0];
	_ =	sdelay $0x4  }
0x99: {  	v55 =	vshll.u32 v3, $0x1  }
0x9a: {  	v3 =	vand.u32 $0x7, v3;
	v4 =	vand.u32 $0xFFFFFFF0, v55  }
0x9b: {  	v3 =	vor.u32 v3, v4  }
0x9c: {  	v4 =	vperm.xlane v3, v0;
	_ =	sdelay $0x1  }
0x9d: {  	v3 =	vperm.xlane v3, v2;
	v4 =	vadd.s32 v1, v4;
	_ =	sdelay $0x1  }
0x9e: {  	v3 =	vadd.s32 v1, v3;
	_ =	sdelay $0x2  }
0x9f: {  	[tilespmem:s13], [sflag:$0x1] =	stream.indirect_vreg.gather [hbm4b:s2+s3], $0x80, v4, vm0, $0xb8;
	[tilespmem:$0x14180] =	vst v63  }
0xa0: {  	_ = 	snop  }
0xa1: {  	[tilespmem:s14], [sflag:$0x1] =	stream.indirect_vreg.gather [hbm4b:s2+s3], $0x80, v3, vm0, $0xb8;
	[tilespmem:$0x14180] =	vst v63  }
0xa2: {  	v3 =	vld [tilespmem:$0xC0];
	_ =	sdelay $0x4  }
0xa3: {  	v56 =	vshll.u32 v3, $0x1  }
0xa4: {  	v3 =	vand.u32 $0x7, v3;
	v4 =	vand.u32 $0xFFFFFFF0, v56  }
0xa5: {  	v3 =	vor.u32 v3, v4  }
0xa6: {  	v4 =	vperm.xlane v3, v0;
	_ =	sdelay $0x1  }
0xa7: {  	v3 =	vperm.xlane v3, v2;
	v4 =	vadd.s32 v1, v4;
	_ =	sdelay $0x1  }
0xa8: {  	v3 =	vadd.s32 v1, v3;
	_ =	sdelay $0x2  }
0xa9: {  	[tilespmem:s15], [sflag:$0x1] =	stream.indirect_vreg.gather [hbm4b:s2+s3], $0x80, v4, vm0, $0xb8;
	[tilespmem:$0x14180] =	vst v63  }
0xaa: {  	_ = 	snop  }
0xab: {  	[tilespmem:s16], [sflag:$0x1] =	stream.indirect_vreg.gather [hbm4b:s2+s3], $0x80, v3, vm0, $0xb8;
	[tilespmem:$0x14180] =	vst v63  }
0xac: {  	v3 =	vld [tilespmem:$0xD0];
	_ =	sdelay $0x4  }
0xad: {  	v57 =	vshll.u32 v3, $0x1  }
0xae: {  	v3 =	vand.u32 $0x7, v3;
	v4 =	vand.u32 $0xFFFFFFF0, v57  }
0xaf: {  	v3 =	vor.u32 v3, v4  }
0xb0: {  	v4 =	vperm.xlane v3, v0;
	_ =	sdelay $0x1  }
0xb1: {  	v3 =	vperm.xlane v3, v2;
	v4 =	vadd.s32 v1, v4;
	_ =	sdelay $0x1  }
0xb2: {  	v3 =	vadd.s32 v1, v3;
	_ =	sdelay $0x2  }
0xb3: {  	[tilespmem:s17], [sflag:$0x1] =	stream.indirect_vreg.gather [hbm4b:s2+s3], $0x80, v4, vm0, $0xb8;
	[tilespmem:$0x14180] =	vst v63  }
0xb4: {  	_ = 	snop  }
0xb5: {  	[tilespmem:s18], [sflag:$0x1] =	stream.indirect_vreg.gather [hbm4b:s2+s3], $0x80, v3, vm0, $0xb8;
	[tilespmem:$0x14180] =	vst v63  }
0xb6: {  	v3 =	vld [tilespmem:$0xE0];
	_ =	sdelay $0x4  }
0xb7: {  	v58 =	vshll.u32 v3, $0x1  }
0xb8: {  	v3 =	vand.u32 $0x7, v3;
	v4 =	vand.u32 $0xFFFFFFF0, v58  }
0xb9: {  	v3 =	vor.u32 v3, v4  }
0xba: {  	v4 =	vperm.xlane v3, v0;
	_ =	sdelay $0x1  }
0xbb: {  	v3 =	vperm.xlane v3, v2;
	v4 =	vadd.s32 v1, v4;
	_ =	sdelay $0x1  }
0xbc: {  	v3 =	vadd.s32 v1, v3;
	_ =	sdelay $0x2  }
0xbd: {  	[tilespmem:s19], [sflag:$0x1] =	stream.indirect_vreg.gather [hbm4b:s2+s3], $0x80, v4, vm0, $0xb8;
	[tilespmem:$0x14180] =	vst v63  }
0xbe: {  	_ = 	snop  }
0xbf: {  	[tilespmem:s20], [sflag:$0x1] =	stream.indirect_vreg.gather [hbm4b:s2+s3], $0x80, v3, vm0, $0xb8;
	[tilespmem:$0x14180] =	vst v63  }
0xc0: {  	v3 =	vld [tilespmem:$0xF0];
	_ =	sdelay $0x4  }
0xc1: {  	v59 =	vshll.u32 v3, $0x1  }
0xc2: {  	v3 =	vand.u32 $0x7, v3;
	v4 =	vand.u32 $0xFFFFFFF0, v59  }
0xc3: {  	v3 =	vor.u32 v3, v4  }
0xc4: {  	v4 =	vperm.xlane v3, v0;
	_ =	sdelay $0x1  }
0xc5: {  	v3 =	vperm.xlane v3, v2;
	v4 =	vadd.s32 v1, v4;
	_ =	sdelay $0x1  }
0xc6: {  	v3 =	vadd.s32 v1, v3;
	_ =	sdelay $0x2  }
0xc7: {  	[tilespmem:s21], [sflag:$0x1] =	stream.indirect_vreg.gather [hbm4b:s2+s3], $0x80, v4, vm0, $0xb8;
	[tilespmem:$0x14180] =	vst v63  }
0xc8: {  	_ = 	snop  }
0xc9: {  	[tilespmem:s22], [sflag:$0x1] =	stream.indirect_vreg.gather [hbm4b:s2+s3], $0x80, v3, vm0, $0xb8;
	[tilespmem:$0x14180] =	vst v63  }
0xca: {  	v3 =	vld [tilespmem:$0x100];
	_ =	sdelay $0x4  }
0xcb: {  	v60 =	vshll.u32 v3, $0x1  }
0xcc: {  	v3 =	vand.u32 $0x7, v3;
	v4 =	vand.u32 $0xFFFFFFF0, v60  }
0xcd: {  	v3 =	vor.u32 v3, v4  }
0xce: {  	v4 =	vperm.xlane v3, v0;
	_ =	sdelay $0x1  }
0xcf: {  	v3 =	vperm.xlane v3, v2;
	v4 =	vadd.s32 v1, v4;
	_ =	sdelay $0x1  }
0xd0: {  	v3 =	vadd.s32 v1, v3;
	_ =	sdelay $0x2  }
0xd1: {  	[tilespmem:s23], [sflag:$0x1] =	stream.indirect_vreg.gather [hbm4b:s2+s3], $0x80, v4, vm0, $0xb8;
	[tilespmem:$0x14180] =	vst v63  }
0xd2: {  	_ = 	snop  }
0xd3: {  	[tilespmem:s24], [sflag:$0x1] =	stream.indirect_vreg.gather [hbm4b:s2+s3], $0x80, v3, vm0, $0xb8;
	[tilespmem:$0x14180] =	vst v63  }
0xd4: {  	v3 =	vld [tilespmem:$0x110];
	_ =	sdelay $0x4  }
0xd5: {  	v61 =	vshll.u32 v3, $0x1  }
0xd6: {  	v3 =	vand.u32 $0x7, v3;
	v4 =	vand.u32 $0xFFFFFFF0, v61  }
0xd7: {  	v3 =	vor.u32 v3, v4  }
0xd8: {  	v4 =	vperm.xlane v3, v0;
	_ =	sdelay $0x1  }
0xd9: {  	v3 =	vperm.xlane v3, v2;
	v4 =	vadd.s32 v1, v4;
	_ =	sdelay $0x1  }
0xda: {  	v3 =	vadd.s32 v1, v3;
	_ =	sdelay $0x2  }
0xdb: {  	[tilespmem:s25], [sflag:$0x1] =	stream.indirect_vreg.gather [hbm4b:s2+s3], $0x80, v4, vm0, $0xb8;
	[tilespmem:$0x14180] =	vst v63  }
0xdc: {  	_ = 	snop  }
0xdd: {  	[tilespmem:s26], [sflag:$0x1] =	stream.indirect_vreg.gather [hbm4b:s2+s3], $0x80, v3, vm0, $0xb8;
	[tilespmem:$0x14180] =	vst v63  }
0xde: {  	v3 =	vld [tilespmem:$0x120];
	_ =	sdelay $0x4  }
0xdf: {  	v62 =	vshll.u32 v3, $0x1  }
0xe0: {  	v3 =	vand.u32 $0x7, v3;
	v4 =	vand.u32 $0xFFFFFFF0, v62  }
0xe1: {  	v3 =	vor.u32 v3, v4  }
0xe2: {  	v4 =	vperm.xlane v3, v0;
	_ =	sdelay $0x1  }
0xe3: {  	v3 =	vperm.xlane v3, v2;
	v4 =	vadd.s32 v1, v4;
	_ =	sdelay $0x1  }
0xe4: {  	v3 =	vadd.s32 v1, v3;
	_ =	sdelay $0x2  }
0xe5: {  	[tilespmem:s28], [sflag:$0x1] =	stream.indirect_vreg.gather [hbm4b:s2+s3], $0x80, v4, vm0, $0xb8;
	[tilespmem:$0x14180] =	vst v63  }
0xe6: {  	_ = 	snop  }
0xe7: {  	[tilespmem:s29], [sflag:$0x1] =	stream.indirect_vreg.gather [hbm4b:s2+s3], $0x80, v3, vm0, $0xb8;
	[tilespmem:$0x14180] =	vst v63  }
0xe8: {  	v3 =	vld [tilespmem:$0x130];
	_ =	sdelay $0x4  }
0xe9: {  	v63 =	vshll.u32 v3, $0x1  }
0xea: {  	v3 =	vand.u32 $0x7, v3;
	v4 =	vand.u32 $0xFFFFFFF0, v63  }
0xeb: {  	v3 =	vor.u32 v3, v4  }
0xec: {  	v4 =	vperm.xlane v3, v0;
	_ =	sdelay $0x1  }
0xed: {  	v3 =	vperm.xlane v3, v2;
	v4 =	vadd.s32 v1, v4;
	_ =	sdelay $0x1  }
0xee: {  	v3 =	vadd.s32 v1, v3;
	_ =	sdelay $0x2  }
0xef: {  	[tilespmem:s30], [sflag:$0x1] =	stream.indirect_vreg.gather [hbm4b:s2+s3], $0x80, v4, vm0, $0xb8;
	[tilespmem:$0x14180] =	vst v63  }
0xf0: {  	_ = 	snop  }
0xf1: {  	[tilespmem:s31], [sflag:$0x1] =	stream.indirect_vreg.gather [hbm4b:s2+s3], $0x80, v3, vm0, $0xb8;
	[tilespmem:$0x14180] =	vst v63  }
0xf2: {  	_ =	swait.ge [sflag:s1], $0x14000  }
0xf3: {  	p0 =	sne.s32 s4, $0x1;
	[sflag:s1] =	ssyncset.done $0x0  }
.Ltmp0:
0xf4: {  	s7 =	rddreg [dreg:$0x4];
	[sflag:s1] =	ssyncadd.s32 $0xFFFEC000;
	(pc) =	sbr.rel @p0 .LBB2_1-.Ltmp0, $4  }
0xf5: {  	[hbm4b:s7+s3] =	stream.linear.scatter [tilespmem:s6], [sflag:$0x2], $0x14000, $0x38;
	[tilespmem:$0x14180] =	vst v63  }
0xf6: {  	_ =	swait.ge [sflag:s5], $0x14000  }
0xf7: {  	[sflag:s5] =	ssyncset.done $0x0  }
0xf8: {  	s4 =	sadd.s32 $0xFFFFFFFF, s4;
	[sflag:s5] =	ssyncadd.s32 $0xFFFEC000  }
0xf9: {  	_ =	sfence.sel $0x180000  }
0xfa: {  	[bflag:$0x0] =	sbarrier.arrive $0xFFFF  }
0xfb: {  	_ =	strace $0x90000047  }
0xfc: {  	s0 =	stileid.u32;
	[bflag:$0x2] =	sbarrier.arrive $0xFFFF  }
0xfd: {  	p0 =	sne.s32 s0, $0x0;
	s0 =	rddreg [dreg:$0x2]  }
0xfe: {  	s0 =	sadd.s32 @!p0 $0x100000, s0  }
0xff: {  	[sflag:s0] =	ssyncadd.tile.s32 @!p0 $0x1;
	_ =	shalt  }
.Lfunc_end2:
_tile_overlayer_lowered:
.L_overlay_start_2:
0x100: {  	(tag) =	ssettag $0x2  }
0x101: {  	s0 =	rddreg [dreg:$0x0];
	s2 =	stileid.u32  }
0x102: {  	s1 =	rddreg [dreg:$0x1];
	p0 =	sne.s32 s2, $0x0  }
0x103: {  	s3 =	rddreg [dreg:$0x2];
	[bflag:$0x3] =	sbarrier.arrive $0xFFFF;
	s2 =	simm.s32 @!p0 $0x1C02  }
0x104: {  	[timem:s3], [sflag:s2] =	dma.local @!p0 [hbm:s0], s1  }
0x105: {  	s0 =	simm.s32 @!p0 $0x2  }
0x106: {  	_ =	swait.ge @!p0 [sflag:s0], s1  }
0x107: {  	s1 =	ssub.s32 @!p0 $0x0, s1;
	[sflag:s0] =	ssyncset.done @!p0 $0x0  }
0x108: {  	[sflag:s0] =	ssyncadd.s32 @!p0 s1  }
0x109: {  	[bflag:$0x3] =	sbarrier.arrive $0xFFFF  }
0x10a: {  	_ =	shalt  }

</sc_bundles>
